<compile_context>
chip_gen: v7x
topology: tpu7x:2x2x1
jax: 0.10.2.dev20260603
libtpu: 0.0.44.dev20260713+nightly
codegen_flags: <defaults>
</compile_context>

<pallas_src>
import functools

import jax
import jax.numpy as jnp
from jax import lax
from jax.experimental import pallas as pl
from jax.experimental.pallas import tpu as pltpu
from jax.experimental.pallas import tpu_sc as plsc

MODEL_DIM = 64
SCALE = 8.0
G = 128
TP = 129
NBUF = 4


def _make_kernel(b, s):
    num_rows = b * s
    info = plsc.get_sparse_core_info()
    nc, ns, nl = info.num_cores, info.num_subcores, info.num_lanes
    nw = nc * ns
    n_groups = num_rows // G
    assert num_rows % G == 0 and n_groups % (nw * NBUF) == 0
    g_per_w = n_groups // nw
    cb = b // G

    mesh = plsc.VectorSubcoreMesh(core_axis_name="c", subcore_axis_name="s")

    @functools.partial(
        pl.kernel,
        mesh=mesh,
        out_type=jax.ShapeDtypeStruct((s, 8, cb, 8, G), jnp.float32),
        compiler_params=pltpu.CompilerParams(
            use_tc_tiling_on_sc=False, needs_layout_passes=False
        ),
        scratch_types=[
            pltpu.VMEM((g_per_w, G), jnp.int32),
            *[pltpu.VMEM((G, MODEL_DIM), jnp.float32) for _ in range(NBUF)],
            *[pltpu.VMEM((8, 8, TP), jnp.float32) for _ in range(2)],
            *[pltpu.SemaphoreType.DMA for _ in range(NBUF + 2)],
        ],
    )
    def k(table_hbm, idx_hbm, out_hbm, idx_v, *bufs):
        rows = bufs[:NBUF]
        trs = bufs[NBUF:NBUF + 2]
        sems = bufs[NBUF + 2:NBUF + 2 + NBUF]
        osems = bufs[NBUF + 2 + NBUF:]
        wid = lax.axis_index("s") * nc + lax.axis_index("c")
        base = wid * g_per_w

        pltpu.sync_copy(idx_hbm.at[pl.ds(base, g_per_w)], idx_v)

        def fire(kk, r):
            pltpu.async_copy(table_hbm.at[idx_v.at[kk]], rows[r], sems[r])

        def drain(kk, r):
            pltpu.make_async_copy(
                table_hbm.at[idx_v.at[kk]], rows[r], sems[r]
            ).wait()

        nch = MODEL_DIM // nl
        jvecs = [lax.iota(jnp.int32, nl) + i * nl for i in range(nch)]
        avecs = [jv // 8 for jv in jvecs]
        pvecs = [jv % 8 for jv in jvecs]

        def transpose_scale(r, t):
            def tbody(t2, carry):
                for dt in range(4):
                    tok = t2 * 4 + dt
                    tv = jnp.full((nl,), 0, jnp.int32) + tok
                    vals = [
                        rows[r][tok, pl.ds(i * nl, nl)] * SCALE
                        for i in range(nch)
                    ]
                    for i in range(nch):
                        plsc.store_scatter(
                            trs[t], [avecs[i], pvecs[i], tv], vals[i]
                        )
                return carry

            lax.fori_loop(0, G // 4, tbody, 0)

        def out_slot(u):
            return lax.div(u, cb), lax.rem(u, cb)

        def fire_out(u, t):
            su, cu = out_slot(u)
            pltpu.async_copy(
                trs[t].at[:, :, pl.ds(0, G)], out_hbm.at[su, :, cu], osems[t]
            )

        def wait_out(t):
            pltpu.make_async_copy(
                trs[t].at[:, :, pl.ds(0, G)], out_hbm.at[0, :, 0], osems[t]
            ).wait()

        for r in range(NBUF):
            fire(r, r)

        def step(q, carry):
            kk = q * NBUF
            for r in range(NBUF):
                t = r % 2
                drain(kk + r, r)
                if r >= 2:
                    wait_out(t)
                else:
                    @pl.when(q >= 1)
                    def _():
                        wait_out(t)
                transpose_scale(r, t)
                fire_out(base + kk + r, t)
                fire(lax.rem(kk + r + NBUF, g_per_w), r)
            return carry

        lax.fori_loop(0, g_per_w // NBUF, step, 0)
        for r in range(NBUF):
            drain(r, r)
        for t in range(2):
            wait_out(t)

    return k


def kernel(x, table):
    b, s = x.shape
    idx = (x.T.astype(jnp.int32) * 2).reshape(s * b // G, G)
    tpad = jnp.pad(table, ((0, 0), (0, MODEL_DIM)))
    out5 = _make_kernel(b, s)(tpad.reshape(-1, MODEL_DIM), idx)
    return jnp.transpose(out5, (2, 4, 0, 1, 3)).reshape(b, s, MODEL_DIM)

# --- scband reference (transcript-rebuilt; emitter-appended) ---
"""Pipeline reference for scband-embedding-62242666054432 (READ-ONLY COPY).

The authoritative reference and input builder live on the scoring server;
editing this copy changes nothing except your own understanding.
"""

import jax, jax.numpy as jnp
import numpy as np

MODEL_DIM = 64
VOCAB_SIZE = 1000000

def setup_inputs(seed: int = 0) -> dict:
    key = jax.random.key(seed)
    k1, k2 = jax.random.split(key)
    x = jax.random.randint(k1, (4096, 200), 0, VOCAB_SIZE, dtype=jnp.int64 if jax.config.jax_enable_x64 else jnp.int32)
    table = jax.random.normal(k2, (VOCAB_SIZE, MODEL_DIM), dtype=jnp.float32) * 0.02
    return {"x": x, "table": table}

def reference(x, table):
    # Embedding lookup followed by sqrt(model_dim) scaling, as in the torch module.
    emb = jnp.take(table, x, axis=0)
    return emb * jnp.sqrt(jnp.float32(MODEL_DIM))

if __name__ == "__main__":
    import jax
    _d = setup_inputs()
    print(jax.jit(kernel)(*tuple(_d.values())))

</pallas_src>

<mosaic_0001>
#map = affine_map<(d0, d1) -> (0, 0)>
#map1 = affine_map<(d0, d1) -> (0, 0, 0, 0, 0)>
module attributes {stable_mosaic.version = 14 : i64} {
  func.func @k(%arg0: i32, %arg1: i32, %arg2: memref<2000000x64xf32, #tpu.memory_space<hbm>>, %arg3: memref<6400x128xi32, #tpu.memory_space<hbm>>, %arg4: memref<200x8x32x8x128xf32, #tpu.memory_space<hbm>>, %arg5: memref<200x128xi32, #tpu.memory_space<vmem>>, %arg6: memref<128x64xf32, #tpu.memory_space<vmem>>, %arg7: memref<128x64xf32, #tpu.memory_space<vmem>>, %arg8: memref<128x64xf32, #tpu.memory_space<vmem>>, %arg9: memref<128x64xf32, #tpu.memory_space<vmem>>, %arg10: memref<8x8x129xf32, #tpu.memory_space<vmem>>, %arg11: memref<8x8x129xf32, #tpu.memory_space<vmem>>, %arg12: memref<!tpu.dma_semaphore, #tpu.memory_space<semaphore_mem>>, %arg13: memref<!tpu.dma_semaphore, #tpu.memory_space<semaphore_mem>>, %arg14: memref<!tpu.dma_semaphore, #tpu.memory_space<semaphore_mem>>, %arg15: memref<!tpu.dma_semaphore, #tpu.memory_space<semaphore_mem>>, %arg16: memref<!tpu.dma_semaphore, #tpu.memory_space<semaphore_mem>>, %arg17: memref<!tpu.dma_semaphore, #tpu.memory_space<semaphore_mem>>) attributes {dimension_semantics = [#tpu.dimension_semantics<core_parallel>, #tpu.dimension_semantics<subcore_parallel>], iteration_bounds = array<i64: 2, 16>, scalar_prefetch = 0 : i64, scratch_operands = 13 : i64, tpu.core_type = #tpu.core_type<sc_vector_subcore>, window_params = [{transform_indices = #map}, {transform_indices = #map}, {transform_indices = #map1}]} {
    %mul3A = arith.constant 2 : i32
    %mul3A_0 = arith.muli %arg1, %mul3A : i32
    %add3A = arith.addi %mul3A_0, %arg0 : i32
    %mul3A_1 = arith.constant 200 : i32
    %mul3A_2 = arith.muli %add3A, %mul3A_1 : i32
    "tpu.region"() ({
      %run_scoped3A = tpu.sem_alloc : memref<!tpu.dma_semaphore, #tpu.memory_space<semaphore_mem>>
      %dma_start3A_319 = arith.constant 0 : i32
      %dma_start3A_320 = tpu.memref_slice %arg3[%mul3A_2, %dma_start3A_319] : memref<6400x128xi32, #tpu.memory_space<hbm>> -> memref<200x128xi32, #tpu.memory_space<hbm>>
      %dma_start3A_321 = arith.constant 0 : i32
      %dma_start3A_322 = tpu.memref_slice %arg3[%mul3A_2, %dma_start3A_321] : memref<6400x128xi32, #tpu.memory_space<hbm>> -> memref<200x128xi32, #tpu.memory_space<hbm>>
      tpu.enqueue_dma source(%dma_start3A_322 : memref<200x128xi32, #tpu.memory_space<hbm>>) target(%arg5 : memref<200x128xi32, #tpu.memory_space<vmem>>) target_semaphore(%run_scoped3A : memref<!tpu.dma_semaphore, #tpu.memory_space<semaphore_mem>>)
      %dma_wait3A_323 = arith.constant 0 : i32
      %dma_wait3A_324 = tpu.memref_slice %arg3[%mul3A_2, %dma_wait3A_323] : memref<6400x128xi32, #tpu.memory_space<hbm>> -> memref<200x128xi32, #tpu.memory_space<hbm>>
      %dma_wait3A_325 = arith.constant 0 : i32
      %dma_wait3A_326 = tpu.memref_slice %arg3[%mul3A_2, %dma_wait3A_325] : memref<6400x128xi32, #tpu.memory_space<hbm>> -> memref<200x128xi32, #tpu.memory_space<hbm>>
      tpu.wait_dma2 semaphore(%run_scoped3A : memref<!tpu.dma_semaphore, #tpu.memory_space<semaphore_mem>>) src(%dma_wait3A_326 : memref<200x128xi32, #tpu.memory_space<hbm>>) dst(%arg5 : memref<200x128xi32, #tpu.memory_space<vmem>>)
      tpu.yield
    }) : () -> ()
    %iota3A = tpu.iota {dimensions = array<i32: 0>} : vector<16xi32>
    %add3A_3 = arith.constant 0 : i32
    %add3A_4 = vector.broadcast %add3A_3 : i32 to vector<16xi32>
    %add3A_5 = arith.addi %iota3A, %add3A_4 : vector<16xi32>
    %iota3A_6 = tpu.iota {dimensions = array<i32: 0>} : vector<16xi32>
    %add3A_7 = arith.constant 16 : i32
    %add3A_8 = vector.broadcast %add3A_7 : i32 to vector<16xi32>
    %add3A_9 = arith.addi %iota3A_6, %add3A_8 : vector<16xi32>
    %iota3A_10 = tpu.iota {dimensions = array<i32: 0>} : vector<16xi32>
    %add3A_11 = arith.constant 32 : i32
    %add3A_12 = vector.broadcast %add3A_11 : i32 to vector<16xi32>
    %add3A_13 = arith.addi %iota3A_10, %add3A_12 : vector<16xi32>
    %iota3A_14 = tpu.iota {dimensions = array<i32: 0>} : vector<16xi32>
    %add3A_15 = arith.constant 48 : i32
    %add3A_16 = vector.broadcast %add3A_15 : i32 to vector<16xi32>
    %add3A_17 = arith.addi %iota3A_14, %add3A_16 : vector<16xi32>
    %jit3A = arith.constant 8 : i32
    %div3A = vector.broadcast %jit3A : i32 to vector<16xi32>
    %div3A_18 = arith.divsi %add3A_5, %div3A : vector<16xi32>
    %sign3A = arith.constant 0 : i32
    %sign3A_19 = vector.broadcast %sign3A : i32 to vector<16xi32>
    %sign3A_20 = arith.cmpi sgt, %add3A_5, %sign3A_19 : vector<16xi32>
    %sign3A_21 = arith.extui %sign3A_20 : vector<16xi1> to vector<16xi32>
    %sign3A_22 = arith.constant 0 : i32
    %sign3A_23 = vector.broadcast %sign3A_22 : i32 to vector<16xi32>
    %sign3A_24 = arith.cmpi slt, %add3A_5, %sign3A_23 : vector<16xi32>
    %sign3A_25 = arith.extui %sign3A_24 : vector<16xi1> to vector<16xi32>
    %sign3A_26 = arith.subi %sign3A_21, %sign3A_25 : vector<16xi32>
    %sign3A_27 = arith.constant 0 : i32
    %sign3A_28 = arith.cmpi sgt, %jit3A, %sign3A_27 : i32
    %sign3A_29 = arith.extui %sign3A_28 : i1 to i32
    %sign3A_30 = arith.constant 0 : i32
    %sign3A_31 = arith.cmpi slt, %jit3A, %sign3A_30 : i32
    %sign3A_32 = arith.extui %sign3A_31 : i1 to i32
    %sign3A_33 = arith.subi %sign3A_29, %sign3A_32 : i32
    %ne3A = vector.broadcast %sign3A_33 : i32 to vector<16xi32>
    %ne3A_34 = arith.cmpi ne, %sign3A_26, %ne3A : vector<16xi32>
    %rem3A = vector.broadcast %jit3A : i32 to vector<16xi32>
    %rem3A_35 = arith.remsi %add3A_5, %rem3A : vector<16xi32>
    %ne3A_36 = arith.constant 0 : i32
    %ne3A_37 = vector.broadcast %ne3A_36 : i32 to vector<16xi32>
    %ne3A_38 = arith.cmpi ne, %rem3A_35, %ne3A_37 : vector<16xi32>
    %and3A = arith.andi %ne3A_34, %ne3A_38 : vector<16xi1>
    %sub3A = arith.constant 1 : i32
    %sub3A_39 = vector.broadcast %sub3A : i32 to vector<16xi32>
    %sub3A_40 = arith.subi %div3A_18, %sub3A_39 : vector<16xi32>
    %select_n3A = arith.select %and3A, %sub3A_40, %div3A_18 : vector<16xi1>, vector<16xi32>
    %jit3A_41 = arith.constant 8 : i32
    %div3A_42 = vector.broadcast %jit3A_41 : i32 to vector<16xi32>
    %div3A_43 = arith.divsi %add3A_9, %div3A_42 : vector<16xi32>
    %sign3A_44 = arith.constant 0 : i32
    %sign3A_45 = vector.broadcast %sign3A_44 : i32 to vector<16xi32>
    %sign3A_46 = arith.cmpi sgt, %add3A_9, %sign3A_45 : vector<16xi32>
    %sign3A_47 = arith.extui %sign3A_46 : vector<16xi1> to vector<16xi32>
    %sign3A_48 = arith.constant 0 : i32
    %sign3A_49 = vector.broadcast %sign3A_48 : i32 to vector<16xi32>
    %sign3A_50 = arith.cmpi slt, %add3A_9, %sign3A_49 : vector<16xi32>
    %sign3A_51 = arith.extui %sign3A_50 : vector<16xi1> to vector<16xi32>
    %sign3A_52 = arith.subi %sign3A_47, %sign3A_51 : vector<16xi32>
    %sign3A_53 = arith.constant 0 : i32
    %sign3A_54 = arith.cmpi sgt, %jit3A_41, %sign3A_53 : i32
    %sign3A_55 = arith.extui %sign3A_54 : i1 to i32
    %sign3A_56 = arith.constant 0 : i32
    %sign3A_57 = arith.cmpi slt, %jit3A_41, %sign3A_56 : i32
    %sign3A_58 = arith.extui %sign3A_57 : i1 to i32
    %sign3A_59 = arith.subi %sign3A_55, %sign3A_58 : i32
    %ne3A_60 = vector.broadcast %sign3A_59 : i32 to vector<16xi32>
    %ne3A_61 = arith.cmpi ne, %sign3A_52, %ne3A_60 : vector<16xi32>
    %rem3A_62 = vector.broadcast %jit3A_41 : i32 to vector<16xi32>
    %rem3A_63 = arith.remsi %add3A_9, %rem3A_62 : vector<16xi32>
    %ne3A_64 = arith.constant 0 : i32
    %ne3A_65 = vector.broadcast %ne3A_64 : i32 to vector<16xi32>
    %ne3A_66 = arith.cmpi ne, %rem3A_63, %ne3A_65 : vector<16xi32>
    %and3A_67 = arith.andi %ne3A_61, %ne3A_66 : vector<16xi1>
    %sub3A_68 = arith.constant 1 : i32
    %sub3A_69 = vector.broadcast %sub3A_68 : i32 to vector<16xi32>
    %sub3A_70 = arith.subi %div3A_43, %sub3A_69 : vector<16xi32>
    %select_n3A_71 = arith.select %and3A_67, %sub3A_70, %div3A_43 : vector<16xi1>, vector<16xi32>
    %jit3A_72 = arith.constant 8 : i32
    %div3A_73 = vector.broadcast %jit3A_72 : i32 to vector<16xi32>
    %div3A_74 = arith.divsi %add3A_13, %div3A_73 : vector<16xi32>
    %sign3A_75 = arith.constant 0 : i32
    %sign3A_76 = vector.broadcast %sign3A_75 : i32 to vector<16xi32>
    %sign3A_77 = arith.cmpi sgt, %add3A_13, %sign3A_76 : vector<16xi32>
    %sign3A_78 = arith.extui %sign3A_77 : vector<16xi1> to vector<16xi32>
    %sign3A_79 = arith.constant 0 : i32
    %sign3A_80 = vector.broadcast %sign3A_79 : i32 to vector<16xi32>
    %sign3A_81 = arith.cmpi slt, %add3A_13, %sign3A_80 : vector<16xi32>
    %sign3A_82 = arith.extui %sign3A_81 : vector<16xi1> to vector<16xi32>
    %sign3A_83 = arith.subi %sign3A_78, %sign3A_82 : vector<16xi32>
    %sign3A_84 = arith.constant 0 : i32
    %sign3A_85 = arith.cmpi sgt, %jit3A_72, %sign3A_84 : i32
    %sign3A_86 = arith.extui %sign3A_85 : i1 to i32
    %sign3A_87 = arith.constant 0 : i32
    %sign3A_88 = arith.cmpi slt, %jit3A_72, %sign3A_87 : i32
    %sign3A_89 = arith.extui %sign3A_88 : i1 to i32
    %sign3A_90 = arith.subi %sign3A_86, %sign3A_89 : i32
    %ne3A_91 = vector.broadcast %sign3A_90 : i32 to vector<16xi32>
    %ne3A_92 = arith.cmpi ne, %sign3A_83, %ne3A_91 : vector<16xi32>
    %rem3A_93 = vector.broadcast %jit3A_72 : i32 to vector<16xi32>
    %rem3A_94 = arith.remsi %add3A_13, %rem3A_93 : vector<16xi32>
    %ne3A_95 = arith.constant 0 : i32
    %ne3A_96 = vector.broadcast %ne3A_95 : i32 to vector<16xi32>
    %ne3A_97 = arith.cmpi ne, %rem3A_94, %ne3A_96 : vector<16xi32>
    %and3A_98 = arith.andi %ne3A_92, %ne3A_97 : vector<16xi1>
    %sub3A_99 = arith.constant 1 : i32
    %sub3A_100 = vector.broadcast %sub3A_99 : i32 to vector<16xi32>
    %sub3A_101 = arith.subi %div3A_74, %sub3A_100 : vector<16xi32>
    %select_n3A_102 = arith.select %and3A_98, %sub3A_101, %div3A_74 : vector<16xi1>, vector<16xi32>
    %jit3A_103 = arith.constant 8 : i32
    %div3A_104 = vector.broadcast %jit3A_103 : i32 to vector<16xi32>
    %div3A_105 = arith.divsi %add3A_17, %div3A_104 : vector<16xi32>
    %sign3A_106 = arith.constant 0 : i32
    %sign3A_107 = vector.broadcast %sign3A_106 : i32 to vector<16xi32>
    %sign3A_108 = arith.cmpi sgt, %add3A_17, %sign3A_107 : vector<16xi32>
    %sign3A_109 = arith.extui %sign3A_108 : vector<16xi1> to vector<16xi32>
    %sign3A_110 = arith.constant 0 : i32
    %sign3A_111 = vector.broadcast %sign3A_110 : i32 to vector<16xi32>
    %sign3A_112 = arith.cmpi slt, %add3A_17, %sign3A_111 : vector<16xi32>
    %sign3A_113 = arith.extui %sign3A_112 : vector<16xi1> to vector<16xi32>
    %sign3A_114 = arith.subi %sign3A_109, %sign3A_113 : vector<16xi32>
    %sign3A_115 = arith.constant 0 : i32
    %sign3A_116 = arith.cmpi sgt, %jit3A_103, %sign3A_115 : i32
    %sign3A_117 = arith.extui %sign3A_116 : i1 to i32
    %sign3A_118 = arith.constant 0 : i32
    %sign3A_119 = arith.cmpi slt, %jit3A_103, %sign3A_118 : i32
    %sign3A_120 = arith.extui %sign3A_119 : i1 to i32
    %sign3A_121 = arith.subi %sign3A_117, %sign3A_120 : i32
    %ne3A_122 = vector.broadcast %sign3A_121 : i32 to vector<16xi32>
    %ne3A_123 = arith.cmpi ne, %sign3A_114, %ne3A_122 : vector<16xi32>
    %rem3A_124 = vector.broadcast %jit3A_103 : i32 to vector<16xi32>
    %rem3A_125 = arith.remsi %add3A_17, %rem3A_124 : vector<16xi32>
    %ne3A_126 = arith.constant 0 : i32
    %ne3A_127 = vector.broadcast %ne3A_126 : i32 to vector<16xi32>
    %ne3A_128 = arith.cmpi ne, %rem3A_125, %ne3A_127 : vector<16xi32>
    %and3A_129 = arith.andi %ne3A_123, %ne3A_128 : vector<16xi1>
    %sub3A_130 = arith.constant 1 : i32
    %sub3A_131 = vector.broadcast %sub3A_130 : i32 to vector<16xi32>
    %sub3A_132 = arith.subi %div3A_105, %sub3A_131 : vector<16xi32>
    %select_n3A_133 = arith.select %and3A_129, %sub3A_132, %div3A_105 : vector<16xi1>, vector<16xi32>
    %jit3A_134 = arith.constant 8 : i32
    %eq3A = arith.constant 0 : i32
    %eq3A_135 = arith.cmpi eq, %jit3A_134, %eq3A : i32
    %jit3A_136 = arith.constant 1 : i32
    %select_n3A_137 = arith.select %eq3A_135, %jit3A_136, %jit3A_134 : i32
    %rem3A_138 = vector.broadcast %select_n3A_137 : i32 to vector<16xi32>
    %rem3A_139 = arith.remsi %add3A_5, %rem3A_138 : vector<16xi32>
    %ne3A_140 = arith.constant 0 : i32
    %ne3A_141 = vector.broadcast %ne3A_140 : i32 to vector<16xi32>
    %ne3A_142 = arith.cmpi ne, %rem3A_139, %ne3A_141 : vector<16xi32>
    %lt3A = arith.constant 0 : i32
    %lt3A_143 = vector.broadcast %lt3A : i32 to vector<16xi32>
    %lt3A_144 = arith.cmpi slt, %rem3A_139, %lt3A_143 : vector<16xi32>
    %lt3A_145 = arith.constant 0 : i32
    %lt3A_146 = arith.cmpi slt, %select_n3A_137, %lt3A_145 : i32
    %ne3A_147 = vector.broadcast %lt3A_146 : i1 to vector<16xi1>
    %ne3A_148 = vector.broadcast %ne3A_147 : vector<16xi1> to vector<16xi1>
    %ne3A_149 = arith.xori %lt3A_144, %ne3A_148 : vector<16xi1>
    %and3A_150 = arith.andi %ne3A_149, %ne3A_142 : vector<16xi1>
    %add3A_151 = vector.broadcast %select_n3A_137 : i32 to vector<16xi32>
    %add3A_152 = arith.addi %rem3A_139, %add3A_151 : vector<16xi32>
    %select_n3A_153 = arith.select %and3A_150, %add3A_152, %rem3A_139 : vector<16xi1>, vector<16xi32>
    %jit3A_154 = arith.constant 8 : i32
    %eq3A_155 = arith.constant 0 : i32
    %eq3A_156 = arith.cmpi eq, %jit3A_154, %eq3A_155 : i32
    %jit3A_157 = arith.constant 1 : i32
    %select_n3A_158 = arith.select %eq3A_156, %jit3A_157, %jit3A_154 : i32
    %rem3A_159 = vector.broadcast %select_n3A_158 : i32 to vector<16xi32>
    %rem3A_160 = arith.remsi %add3A_9, %rem3A_159 : vector<16xi32>
    %ne3A_161 = arith.constant 0 : i32
    %ne3A_162 = vector.broadcast %ne3A_161 : i32 to vector<16xi32>
    %ne3A_163 = arith.cmpi ne, %rem3A_160, %ne3A_162 : vector<16xi32>
    %lt3A_164 = arith.constant 0 : i32
    %lt3A_165 = vector.broadcast %lt3A_164 : i32 to vector<16xi32>
    %lt3A_166 = arith.cmpi slt, %rem3A_160, %lt3A_165 : vector<16xi32>
    %lt3A_167 = arith.constant 0 : i32
    %lt3A_168 = arith.cmpi slt, %select_n3A_158, %lt3A_167 : i32
    %ne3A_169 = vector.broadcast %lt3A_168 : i1 to vector<16xi1>
    %ne3A_170 = vector.broadcast %ne3A_169 : vector<16xi1> to vector<16xi1>
    %ne3A_171 = arith.xori %lt3A_166, %ne3A_170 : vector<16xi1>
    %and3A_172 = arith.andi %ne3A_171, %ne3A_163 : vector<16xi1>
    %add3A_173 = vector.broadcast %select_n3A_158 : i32 to vector<16xi32>
    %add3A_174 = arith.addi %rem3A_160, %add3A_173 : vector<16xi32>
    %select_n3A_175 = arith.select %and3A_172, %add3A_174, %rem3A_160 : vector<16xi1>, vector<16xi32>
    %jit3A_176 = arith.constant 8 : i32
    %eq3A_177 = arith.constant 0 : i32
    %eq3A_178 = arith.cmpi eq, %jit3A_176, %eq3A_177 : i32
    %jit3A_179 = arith.constant 1 : i32
    %select_n3A_180 = arith.select %eq3A_178, %jit3A_179, %jit3A_176 : i32
    %rem3A_181 = vector.broadcast %select_n3A_180 : i32 to vector<16xi32>
    %rem3A_182 = arith.remsi %add3A_13, %rem3A_181 : vector<16xi32>
    %ne3A_183 = arith.constant 0 : i32
    %ne3A_184 = vector.broadcast %ne3A_183 : i32 to vector<16xi32>
    %ne3A_185 = arith.cmpi ne, %rem3A_182, %ne3A_184 : vector<16xi32>
    %lt3A_186 = arith.constant 0 : i32
    %lt3A_187 = vector.broadcast %lt3A_186 : i32 to vector<16xi32>
    %lt3A_188 = arith.cmpi slt, %rem3A_182, %lt3A_187 : vector<16xi32>
    %lt3A_189 = arith.constant 0 : i32
    %lt3A_190 = arith.cmpi slt, %select_n3A_180, %lt3A_189 : i32
    %ne3A_191 = vector.broadcast %lt3A_190 : i1 to vector<16xi1>
    %ne3A_192 = vector.broadcast %ne3A_191 : vector<16xi1> to vector<16xi1>
    %ne3A_193 = arith.xori %lt3A_188, %ne3A_192 : vector<16xi1>
    %and3A_194 = arith.andi %ne3A_193, %ne3A_185 : vector<16xi1>
    %add3A_195 = vector.broadcast %select_n3A_180 : i32 to vector<16xi32>
    %add3A_196 = arith.addi %rem3A_182, %add3A_195 : vector<16xi32>
    %select_n3A_197 = arith.select %and3A_194, %add3A_196, %rem3A_182 : vector<16xi1>, vector<16xi32>
    %jit3A_198 = arith.constant 8 : i32
    %eq3A_199 = arith.constant 0 : i32
    %eq3A_200 = arith.cmpi eq, %jit3A_198, %eq3A_199 : i32
    %jit3A_201 = arith.constant 1 : i32
    %select_n3A_202 = arith.select %eq3A_200, %jit3A_201, %jit3A_198 : i32
    %rem3A_203 = vector.broadcast %select_n3A_202 : i32 to vector<16xi32>
    %rem3A_204 = arith.remsi %add3A_17, %rem3A_203 : vector<16xi32>
    %ne3A_205 = arith.constant 0 : i32
    %ne3A_206 = vector.broadcast %ne3A_205 : i32 to vector<16xi32>
    %ne3A_207 = arith.cmpi ne, %rem3A_204, %ne3A_206 : vector<16xi32>
    %lt3A_208 = arith.constant 0 : i32
    %lt3A_209 = vector.broadcast %lt3A_208 : i32 to vector<16xi32>
    %lt3A_210 = arith.cmpi slt, %rem3A_204, %lt3A_209 : vector<16xi32>
    %lt3A_211 = arith.constant 0 : i32
    %lt3A_212 = arith.cmpi slt, %select_n3A_202, %lt3A_211 : i32
    %ne3A_213 = vector.broadcast %lt3A_212 : i1 to vector<16xi1>
    %ne3A_214 = vector.broadcast %ne3A_213 : vector<16xi1> to vector<16xi1>
    %ne3A_215 = arith.xori %lt3A_210, %ne3A_214 : vector<16xi1>
    %and3A_216 = arith.andi %ne3A_215, %ne3A_207 : vector<16xi1>
    %add3A_217 = vector.broadcast %select_n3A_202 : i32 to vector<16xi32>
    %add3A_218 = arith.addi %rem3A_204, %add3A_217 : vector<16xi32>
    %select_n3A_219 = arith.select %and3A_216, %add3A_218, %rem3A_204 : vector<16xi1>, vector<16xi32>
    %dma_start3A = arith.constant 0 : i32
    %dma_start3A_220 = arith.constant 0 : i32
    %dma_start3A_221 = tpu.memref_slice %arg5[%dma_start3A, %dma_start3A_220] : memref<200x128xi32, #tpu.memory_space<vmem>> -> memref<1x128xi32, #tpu.memory_space<vmem>>
    %dma_start3A_222 = tpu.memref_squeeze %dma_start3A_221 : memref<1x128xi32, #tpu.memory_space<vmem>> -> memref<128xi32, #tpu.memory_space<vmem>>
    %dma_start3A_223 = arith.constant 0 : i32
    %dma_start3A_224 = arith.constant 0 : i32
    %dma_start3A_225 = tpu.memref_slice %arg2[%dma_start3A_223, %dma_start3A_224] : memref<2000000x64xf32, #tpu.memory_space<hbm>> -> memref<2000000x64xf32, #tpu.memory_space<hbm>>
    tpu.enqueue_indirect_dma source(%dma_start3A_225 : memref<2000000x64xf32, #tpu.memory_space<hbm>>) target(%arg6 : memref<128x64xf32, #tpu.memory_space<vmem>>) offsets(%dma_start3A_222 : memref<128xi32, #tpu.memory_space<vmem>>) semaphore(%arg12 : memref<!tpu.dma_semaphore, #tpu.memory_space<semaphore_mem>>)
    %dma_start3A_226 = arith.constant 1 : i32
    %dma_start3A_227 = arith.constant 0 : i32
    %dma_start3A_228 = tpu.memref_slice %arg5[%dma_start3A_226, %dma_start3A_227] : memref<200x128xi32, #tpu.memory_space<vmem>> -> memref<1x128xi32, #tpu.memory_space<vmem>>
    %dma_start3A_229 = tpu.memref_squeeze %dma_start3A_228 : memref<1x128xi32, #tpu.memory_space<vmem>> -> memref<128xi32, #tpu.memory_space<vmem>>
    %dma_start3A_230 = arith.constant 0 : i32
    %dma_start3A_231 = arith.constant 0 : i32
    %dma_start3A_232 = tpu.memref_slice %arg2[%dma_start3A_230, %dma_start3A_231] : memref<2000000x64xf32, #tpu.memory_space<hbm>> -> memref<2000000x64xf32, #tpu.memory_space<hbm>>
    tpu.enqueue_indirect_dma source(%dma_start3A_232 : memref<2000000x64xf32, #tpu.memory_space<hbm>>) target(%arg7 : memref<128x64xf32, #tpu.memory_space<vmem>>) offsets(%dma_start3A_229 : memref<128xi32, #tpu.memory_space<vmem>>) semaphore(%arg13 : memref<!tpu.dma_semaphore, #tpu.memory_space<semaphore_mem>>)
    %dma_start3A_233 = arith.constant 2 : i32
    %dma_start3A_234 = arith.constant 0 : i32
    %dma_start3A_235 = tpu.memref_slice %arg5[%dma_start3A_233, %dma_start3A_234] : memref<200x128xi32, #tpu.memory_space<vmem>> -> memref<1x128xi32, #tpu.memory_space<vmem>>
    %dma_start3A_236 = tpu.memref_squeeze %dma_start3A_235 : memref<1x128xi32, #tpu.memory_space<vmem>> -> memref<128xi32, #tpu.memory_space<vmem>>
    %dma_start3A_237 = arith.constant 0 : i32
    %dma_start3A_238 = arith.constant 0 : i32
    %dma_start3A_239 = tpu.memref_slice %arg2[%dma_start3A_237, %dma_start3A_238] : memref<2000000x64xf32, #tpu.memory_space<hbm>> -> memref<2000000x64xf32, #tpu.memory_space<hbm>>
    tpu.enqueue_indirect_dma source(%dma_start3A_239 : memref<2000000x64xf32, #tpu.memory_space<hbm>>) target(%arg8 : memref<128x64xf32, #tpu.memory_space<vmem>>) offsets(%dma_start3A_236 : memref<128xi32, #tpu.memory_space<vmem>>) semaphore(%arg14 : memref<!tpu.dma_semaphore, #tpu.memory_space<semaphore_mem>>)
    %dma_start3A_240 = arith.constant 3 : i32
    %dma_start3A_241 = arith.constant 0 : i32
    %dma_start3A_242 = tpu.memref_slice %arg5[%dma_start3A_240, %dma_start3A_241] : memref<200x128xi32, #tpu.memory_space<vmem>> -> memref<1x128xi32, #tpu.memory_space<vmem>>
    %dma_start3A_243 = tpu.memref_squeeze %dma_start3A_242 : memref<1x128xi32, #tpu.memory_space<vmem>> -> memref<128xi32, #tpu.memory_space<vmem>>
    %dma_start3A_244 = arith.constant 0 : i32
    %dma_start3A_245 = arith.constant 0 : i32
    %dma_start3A_246 = tpu.memref_slice %arg2[%dma_start3A_244, %dma_start3A_245] : memref<2000000x64xf32, #tpu.memory_space<hbm>> -> memref<2000000x64xf32, #tpu.memory_space<hbm>>
    tpu.enqueue_indirect_dma source(%dma_start3A_246 : memref<2000000x64xf32, #tpu.memory_space<hbm>>) target(%arg9 : memref<128x64xf32, #tpu.memory_space<vmem>>) offsets(%dma_start3A_243 : memref<128xi32, #tpu.memory_space<vmem>>) semaphore(%arg15 : memref<!tpu.dma_semaphore, #tpu.memory_space<semaphore_mem>>)
    %scan3A = arith.constant 0 : i32
    %scan3A_247 = arith.constant 0 : i32
    %scan3A_248 = arith.constant 50 : i32
    %scan3A_249 = arith.addi %scan3A_247, %scan3A_248 : i32
    %scan3A_250 = arith.constant 1 : i32
    scf.for %scan3A_319 = %scan3A_247 to %scan3A_249 step %scan3A_250  : i32 {
      %mul3A_320 = arith.constant 4 : i32
      %mul3A_321 = arith.muli %scan3A_319, %mul3A_320 : i32
      %add3A_322 = arith.constant 0 : i32
      %add3A_323 = arith.addi %mul3A_321, %add3A_322 : i32
      %dma_wait3A_324 = arith.constant 0 : i32
      %dma_wait3A_325 = tpu.memref_slice %arg5[%add3A_323, %dma_wait3A_324] : memref<200x128xi32, #tpu.memory_space<vmem>> -> memref<1x128xi32, #tpu.memory_space<vmem>>
      %dma_wait3A_326 = tpu.memref_squeeze %dma_wait3A_325 : memref<1x128xi32, #tpu.memory_space<vmem>> -> memref<128xi32, #tpu.memory_space<vmem>>
      %dma_wait3A_327 = arith.constant 0 : i32
      %dma_wait3A_328 = arith.constant 0 : i32
      %dma_wait3A_329 = tpu.memref_slice %arg2[%dma_wait3A_327, %dma_wait3A_328] : memref<2000000x64xf32, #tpu.memory_space<hbm>> -> memref<2000000x64xf32, #tpu.memory_space<hbm>>
      tpu.wait_indirect_dma semaphore(%arg12 : memref<!tpu.dma_semaphore, #tpu.memory_space<semaphore_mem>>) src(%dma_wait3A_329 : memref<2000000x64xf32, #tpu.memory_space<hbm>>) dst(%arg6 : memref<128x64xf32, #tpu.memory_space<vmem>>)
      %ge3A = arith.constant 1 : i32
      %ge3A_330 = arith.cmpi sge, %scan3A_319, %ge3A : i32
      %convert_element_type3A = arith.extui %ge3A_330 : i1 to i32
      %cond3A = arith.constant 0 : i32
      %cond3A_331 = arith.cmpi ne, %convert_element_type3A, %cond3A : i32
      scf.if %cond3A_331 {
        %dma_wait3A_573 = arith.constant 0 : i32
        %dma_wait3A_574 = arith.constant 0 : i32
        %dma_wait3A_575 = arith.constant 0 : i32
        %dma_wait3A_576 = arith.constant 0 : i32
        %dma_wait3A_577 = arith.constant 0 : i32
        %dma_wait3A_578 = tpu.memref_slice %arg10[%dma_wait3A_575, %dma_wait3A_576, %dma_wait3A_577] : memref<8x8x129xf32, #tpu.memory_space<vmem>> -> memref<8x8x128xf32, #tpu.memory_space<vmem>>
        %dma_wait3A_579 = arith.constant 0 : i32
        %dma_wait3A_580 = arith.constant 0 : i32
        %dma_wait3A_581 = arith.constant 0 : i32
        %dma_wait3A_582 = tpu.memref_slice %arg4[%dma_wait3A_573, %dma_wait3A_579, %dma_wait3A_574, %dma_wait3A_580, %dma_wait3A_581] : memref<200x8x32x8x128xf32, #tpu.memory_space<hbm>> -> memref<1x8x1x8x128xf32, #tpu.memory_space<hbm>>
        %dma_wait3A_583 = tpu.memref_squeeze %dma_wait3A_582 : memref<1x8x1x8x128xf32, #tpu.memory_space<hbm>> -> memref<8x8x128xf32, #tpu.memory_space<hbm>>
        %dma_wait3A_584 = arith.constant 0 : i32
        %dma_wait3A_585 = arith.constant 0 : i32
        %dma_wait3A_586 = arith.constant 0 : i32
        %dma_wait3A_587 = tpu.memref_slice %arg4[%dma_wait3A_573, %dma_wait3A_584, %dma_wait3A_574, %dma_wait3A_585, %dma_wait3A_586] : memref<200x8x32x8x128xf32, #tpu.memory_space<hbm>> -> memref<1x8x1x8x128xf32, #tpu.memory_space<hbm>>
        %dma_wait3A_588 = tpu.memref_squeeze %dma_wait3A_587 : memref<1x8x1x8x128xf32, #tpu.memory_space<hbm>> -> memref<8x8x128xf32, #tpu.memory_space<hbm>>
        %dma_wait3A_589 = arith.constant 0 : i32
        %dma_wait3A_590 = arith.constant 0 : i32
        %dma_wait3A_591 = arith.constant 0 : i32
        %dma_wait3A_592 = tpu.memref_slice %arg10[%dma_wait3A_589, %dma_wait3A_590, %dma_wait3A_591] : memref<8x8x129xf32, #tpu.memory_space<vmem>> -> memref<8x8x128xf32, #tpu.memory_space<vmem>>
        tpu.wait_dma2 semaphore(%arg16 : memref<!tpu.dma_semaphore, #tpu.memory_space<semaphore_mem>>) src(%dma_wait3A_592 : memref<8x8x128xf32, #tpu.memory_space<vmem>>) dst(%dma_wait3A_588 : memref<8x8x128xf32, #tpu.memory_space<hbm>>)
      } else {
      }
      %scan3A_332 = arith.constant 0 : i32
      %scan3A_333 = arith.constant 0 : i32
      %scan3A_334 = arith.constant 32 : i32
      %scan3A_335 = arith.addi %scan3A_333, %scan3A_334 : i32
      %scan3A_336 = arith.constant 1 : i32
      scf.for %scan3A_573 = %scan3A_333 to %scan3A_335 step %scan3A_336  : i32 {
        %mul3A_574 = arith.constant 4 : i32
        %mul3A_575 = arith.muli %scan3A_573, %mul3A_574 : i32
        %add3A_576 = arith.constant 0 : i32
        %add3A_577 = arith.addi %mul3A_575, %add3A_576 : i32
        %broadcast_in_dim3A = arith.constant 0 : i32
        %broadcast_in_dim3A_578 = vector.broadcast %broadcast_in_dim3A : i32 to vector<16xi32>
        %add3A_579 = vector.broadcast %add3A_577 : i32 to vector<16xi32>
        %add3A_580 = arith.addi %broadcast_in_dim3A_578, %add3A_579 : vector<16xi32>
        %get3A = arith.index_cast %add3A_577 : i32 to index
        %get3A_581 = arith.constant 0 : index
        %get3A_582 = tpu.vector_load %arg6[%get3A, %get3A_581] {strides = array<i32>} : memref<128x64xf32, #tpu.memory_space<vmem>>, vector<16xf32>,
        %mul3A_583 = arith.constant 8.000000e+00 : f32
        %mul3A_584 = vector.broadcast %mul3A_583 : f32 to vector<16xf32>
        %mul3A_585 = arith.mulf %get3A_582, %mul3A_584 : vector<16xf32>
        %get3A_586 = arith.index_cast %add3A_577 : i32 to index
        %get3A_587 = arith.constant 16 : index
        %get3A_588 = tpu.vector_load %arg6[%get3A_586, %get3A_587] {strides = array<i32>} : memref<128x64xf32, #tpu.memory_space<vmem>>, vector<16xf32>,
        %mul3A_589 = arith.constant 8.000000e+00 : f32
        %mul3A_590 = vector.broadcast %mul3A_589 : f32 to vector<16xf32>
        %mul3A_591 = arith.mulf %get3A_588, %mul3A_590 : vector<16xf32>
        %get3A_592 = arith.index_cast %add3A_577 : i32 to index
        %get3A_593 = arith.constant 32 : index
        %get3A_594 = tpu.vector_load %arg6[%get3A_592, %get3A_593] {strides = array<i32>} : memref<128x64xf32, #tpu.memory_space<vmem>>, vector<16xf32>,
        %mul3A_595 = arith.constant 8.000000e+00 : f32
        %mul3A_596 = vector.broadcast %mul3A_595 : f32 to vector<16xf32>
        %mul3A_597 = arith.mulf %get3A_594, %mul3A_596 : vector<16xf32>
        %get3A_598 = arith.index_cast %add3A_577 : i32 to index
        %get3A_599 = arith.constant 48 : index
        %get3A_600 = tpu.vector_load %arg6[%get3A_598, %get3A_599] {strides = array<i32>} : memref<128x64xf32, #tpu.memory_space<vmem>>, vector<16xf32>,
        %mul3A_601 = arith.constant 8.000000e+00 : f32
        %mul3A_602 = vector.broadcast %mul3A_601 : f32 to vector<16xf32>
        %mul3A_603 = arith.mulf %get3A_600, %mul3A_602 : vector<16xf32>
        tpu.vector_store_idx %arg10[%select_n3A, %select_n3A_153, %add3A_580], %mul3A_585 : memref<8x8x129xf32, #tpu.memory_space<vmem>>[vector<16xi32>, vector<16xi32>, vector<16xi32>], vector<16xf32>,
        tpu.vector_store_idx %arg10[%select_n3A_71, %select_n3A_175, %add3A_580], %mul3A_591 : memref<8x8x129xf32, #tpu.memory_space<vmem>>[vector<16xi32>, vector<16xi32>, vector<16xi32>], vector<16xf32>,
        tpu.vector_store_idx %arg10[%select_n3A_102, %select_n3A_197, %add3A_580], %mul3A_597 : memref<8x8x129xf32, #tpu.memory_space<vmem>>[vector<16xi32>, vector<16xi32>, vector<16xi32>], vector<16xf32>,
        tpu.vector_store_idx %arg10[%select_n3A_133, %select_n3A_219, %add3A_580], %mul3A_603 : memref<8x8x129xf32, #tpu.memory_space<vmem>>[vector<16xi32>, vector<16xi32>, vector<16xi32>], vector<16xf32>,
        %mul3A_604 = arith.constant 4 : i32
        %mul3A_605 = arith.muli %scan3A_573, %mul3A_604 : i32
        %add3A_606 = arith.constant 1 : i32
        %add3A_607 = arith.addi %mul3A_605, %add3A_606 : i32
        %broadcast_in_dim3A_608 = arith.constant 0 : i32
        %broadcast_in_dim3A_609 = vector.broadcast %broadcast_in_dim3A_608 : i32 to vector<16xi32>
        %add3A_610 = vector.broadcast %add3A_607 : i32 to vector<16xi32>
        %add3A_611 = arith.addi %broadcast_in_dim3A_609, %add3A_610 : vector<16xi32>
        %get3A_612 = arith.index_cast %add3A_607 : i32 to index
        %get3A_613 = arith.constant 0 : index
        %get3A_614 = tpu.vector_load %arg6[%get3A_612, %get3A_613] {strides = array<i32>} : memref<128x64xf32, #tpu.memory_space<vmem>>, vector<16xf32>,
        %mul3A_615 = arith.constant 8.000000e+00 : f32
        %mul3A_616 = vector.broadcast %mul3A_615 : f32 to vector<16xf32>
        %mul3A_617 = arith.mulf %get3A_614, %mul3A_616 : vector<16xf32>
        %get3A_618 = arith.index_cast %add3A_607 : i32 to index
        %get3A_619 = arith.constant 16 : index
        %get3A_620 = tpu.vector_load %arg6[%get3A_618, %get3A_619] {strides = array<i32>} : memref<128x64xf32, #tpu.memory_space<vmem>>, vector<16xf32>,
        %mul3A_621 = arith.constant 8.000000e+00 : f32
        %mul3A_622 = vector.broadcast %mul3A_621 : f32 to vector<16xf32>
        %mul3A_623 = arith.mulf %get3A_620, %mul3A_622 : vector<16xf32>
        %get3A_624 = arith.index_cast %add3A_607 : i32 to index
        %get3A_625 = arith.constant 32 : index
        %get3A_626 = tpu.vector_load %arg6[%get3A_624, %get3A_625] {strides = array<i32>} : memref<128x64xf32, #tpu.memory_space<vmem>>, vector<16xf32>,
        %mul3A_627 = arith.constant 8.000000e+00 : f32
        %mul3A_628 = vector.broadcast %mul3A_627 : f32 to vector<16xf32>
        %mul3A_629 = arith.mulf %get3A_626, %mul3A_628 : vector<16xf32>
        %get3A_630 = arith.index_cast %add3A_607 : i32 to index
        %get3A_631 = arith.constant 48 : index
        %get3A_632 = tpu.vector_load %arg6[%get3A_630, %get3A_631] {strides = array<i32>} : memref<128x64xf32, #tpu.memory_space<vmem>>, vector<16xf32>,
        %mul3A_633 = arith.constant 8.000000e+00 : f32
        %mul3A_634 = vector.broadcast %mul3A_633 : f32 to vector<16xf32>
        %mul3A_635 = arith.mulf %get3A_632, %mul3A_634 : vector<16xf32>
        tpu.vector_store_idx %arg10[%select_n3A, %select_n3A_153, %add3A_611], %mul3A_617 : memref<8x8x129xf32, #tpu.memory_space<vmem>>[vector<16xi32>, vector<16xi32>, vector<16xi32>], vector<16xf32>,
        tpu.vector_store_idx %arg10[%select_n3A_71, %select_n3A_175, %add3A_611], %mul3A_623 : memref<8x8x129xf32, #tpu.memory_space<vmem>>[vector<16xi32>, vector<16xi32>, vector<16xi32>], vector<16xf32>,
        tpu.vector_store_idx %arg10[%select_n3A_102, %select_n3A_197, %add3A_611], %mul3A_629 : memref<8x8x129xf32, #tpu.memory_space<vmem>>[vector<16xi32>, vector<16xi32>, vector<16xi32>], vector<16xf32>,
        tpu.vector_store_idx %arg10[%select_n3A_133, %select_n3A_219, %add3A_611], %mul3A_635 : memref<8x8x129xf32, #tpu.memory_space<vmem>>[vector<16xi32>, vector<16xi32>, vector<16xi32>], vector<16xf32>,
        %mul3A_636 = arith.constant 4 : i32
        %mul3A_637 = arith.muli %scan3A_573, %mul3A_636 : i32
        %add3A_638 = arith.constant 2 : i32
        %add3A_639 = arith.addi %mul3A_637, %add3A_638 : i32
        %broadcast_in_dim3A_640 = arith.constant 0 : i32
        %broadcast_in_dim3A_641 = vector.broadcast %broadcast_in_dim3A_640 : i32 to vector<16xi32>
        %add3A_642 = vector.broadcast %add3A_639 : i32 to vector<16xi32>
        %add3A_643 = arith.addi %broadcast_in_dim3A_641, %add3A_642 : vector<16xi32>
        %get3A_644 = arith.index_cast %add3A_639 : i32 to index
        %get3A_645 = arith.constant 0 : index
        %get3A_646 = tpu.vector_load %arg6[%get3A_644, %get3A_645] {strides = array<i32>} : memref<128x64xf32, #tpu.memory_space<vmem>>, vector<16xf32>,
        %mul3A_647 = arith.constant 8.000000e+00 : f32
        %mul3A_648 = vector.broadcast %mul3A_647 : f32 to vector<16xf32>
        %mul3A_649 = arith.mulf %get3A_646, %mul3A_648 : vector<16xf32>
        %get3A_650 = arith.index_cast %add3A_639 : i32 to index
        %get3A_651 = arith.constant 16 : index
        %get3A_652 = tpu.vector_load %arg6[%get3A_650, %get3A_651] {strides = array<i32>} : memref<128x64xf32, #tpu.memory_space<vmem>>, vector<16xf32>,
        %mul3A_653 = arith.constant 8.000000e+00 : f32
        %mul3A_654 = vector.broadcast %mul3A_653 : f32 to vector<16xf32>
        %mul3A_655 = arith.mulf %get3A_652, %mul3A_654 : vector<16xf32>
        %get3A_656 = arith.index_cast %add3A_639 : i32 to index
        %get3A_657 = arith.constant 32 : index
        %get3A_658 = tpu.vector_load %arg6[%get3A_656, %get3A_657] {strides = array<i32>} : memref<128x64xf32, #tpu.memory_space<vmem>>, vector<16xf32>,
        %mul3A_659 = arith.constant 8.000000e+00 : f32
        %mul3A_660 = vector.broadcast %mul3A_659 : f32 to vector<16xf32>
        %mul3A_661 = arith.mulf %get3A_658, %mul3A_660 : vector<16xf32>
        %get3A_662 = arith.index_cast %add3A_639 : i32 to index
        %get3A_663 = arith.constant 48 : index
        %get3A_664 = tpu.vector_load %arg6[%get3A_662, %get3A_663] {strides = array<i32>} : memref<128x64xf32, #tpu.memory_space<vmem>>, vector<16xf32>,
        %mul3A_665 = arith.constant 8.000000e+00 : f32
        %mul3A_666 = vector.broadcast %mul3A_665 : f32 to vector<16xf32>
        %mul3A_667 = arith.mulf %get3A_664, %mul3A_666 : vector<16xf32>
        tpu.vector_store_idx %arg10[%select_n3A, %select_n3A_153, %add3A_643], %mul3A_649 : memref<8x8x129xf32, #tpu.memory_space<vmem>>[vector<16xi32>, vector<16xi32>, vector<16xi32>], vector<16xf32>,
        tpu.vector_store_idx %arg10[%select_n3A_71, %select_n3A_175, %add3A_643], %mul3A_655 : memref<8x8x129xf32, #tpu.memory_space<vmem>>[vector<16xi32>, vector<16xi32>, vector<16xi32>], vector<16xf32>,
        tpu.vector_store_idx %arg10[%select_n3A_102, %select_n3A_197, %add3A_643], %mul3A_661 : memref<8x8x129xf32, #tpu.memory_space<vmem>>[vector<16xi32>, vector<16xi32>, vector<16xi32>], vector<16xf32>,
        tpu.vector_store_idx %arg10[%select_n3A_133, %select_n3A_219, %add3A_643], %mul3A_667 : memref<8x8x129xf32, #tpu.memory_space<vmem>>[vector<16xi32>, vector<16xi32>, vector<16xi32>], vector<16xf32>,
        %mul3A_668 = arith.constant 4 : i32
        %mul3A_669 = arith.muli %scan3A_573, %mul3A_668 : i32
        %add3A_670 = arith.constant 3 : i32
        %add3A_671 = arith.addi %mul3A_669, %add3A_670 : i32
        %broadcast_in_dim3A_672 = arith.constant 0 : i32
        %broadcast_in_dim3A_673 = vector.broadcast %broadcast_in_dim3A_672 : i32 to vector<16xi32>
        %add3A_674 = vector.broadcast %add3A_671 : i32 to vector<16xi32>
        %add3A_675 = arith.addi %broadcast_in_dim3A_673, %add3A_674 : vector<16xi32>
        %get3A_676 = arith.index_cast %add3A_671 : i32 to index
        %get3A_677 = arith.constant 0 : index
        %get3A_678 = tpu.vector_load %arg6[%get3A_676, %get3A_677] {strides = array<i32>} : memref<128x64xf32, #tpu.memory_space<vmem>>, vector<16xf32>,
        %mul3A_679 = arith.constant 8.000000e+00 : f32
        %mul3A_680 = vector.broadcast %mul3A_679 : f32 to vector<16xf32>
        %mul3A_681 = arith.mulf %get3A_678, %mul3A_680 : vector<16xf32>
        %get3A_682 = arith.index_cast %add3A_671 : i32 to index
        %get3A_683 = arith.constant 16 : index
        %get3A_684 = tpu.vector_load %arg6[%get3A_682, %get3A_683] {strides = array<i32>} : memref<128x64xf32, #tpu.memory_space<vmem>>, vector<16xf32>,
        %mul3A_685 = arith.constant 8.000000e+00 : f32
        %mul3A_686 = vector.broadcast %mul3A_685 : f32 to vector<16xf32>
        %mul3A_687 = arith.mulf %get3A_684, %mul3A_686 : vector<16xf32>
        %get3A_688 = arith.index_cast %add3A_671 : i32 to index
        %get3A_689 = arith.constant 32 : index
        %get3A_690 = tpu.vector_load %arg6[%get3A_688, %get3A_689] {strides = array<i32>} : memref<128x64xf32, #tpu.memory_space<vmem>>, vector<16xf32>,
        %mul3A_691 = arith.constant 8.000000e+00 : f32
        %mul3A_692 = vector.broadcast %mul3A_691 : f32 to vector<16xf32>
        %mul3A_693 = arith.mulf %get3A_690, %mul3A_692 : vector<16xf32>
        %get3A_694 = arith.index_cast %add3A_671 : i32 to index
        %get3A_695 = arith.constant 48 : index
        %get3A_696 = tpu.vector_load %arg6[%get3A_694, %get3A_695] {strides = array<i32>} : memref<128x64xf32, #tpu.memory_space<vmem>>, vector<16xf32>,
        %mul3A_697 = arith.constant 8.000000e+00 : f32
        %mul3A_698 = vector.broadcast %mul3A_697 : f32 to vector<16xf32>
        %mul3A_699 = arith.mulf %get3A_696, %mul3A_698 : vector<16xf32>
        tpu.vector_store_idx %arg10[%select_n3A, %select_n3A_153, %add3A_675], %mul3A_681 : memref<8x8x129xf32, #tpu.memory_space<vmem>>[vector<16xi32>, vector<16xi32>, vector<16xi32>], vector<16xf32>,
        tpu.vector_store_idx %arg10[%select_n3A_71, %select_n3A_175, %add3A_675], %mul3A_687 : memref<8x8x129xf32, #tpu.memory_space<vmem>>[vector<16xi32>, vector<16xi32>, vector<16xi32>], vector<16xf32>,
        tpu.vector_store_idx %arg10[%select_n3A_102, %select_n3A_197, %add3A_675], %mul3A_693 : memref<8x8x129xf32, #tpu.memory_space<vmem>>[vector<16xi32>, vector<16xi32>, vector<16xi32>], vector<16xf32>,
        tpu.vector_store_idx %arg10[%select_n3A_133, %select_n3A_219, %add3A_675], %mul3A_699 : memref<8x8x129xf32, #tpu.memory_space<vmem>>[vector<16xi32>, vector<16xi32>, vector<16xi32>], vector<16xf32>,
      }
      %scan3A_337 = arith.constant 32 : i32
      %add3A_338 = arith.addi %mul3A_2, %mul3A_321 : i32
      %add3A_339 = arith.constant 0 : i32
      %add3A_340 = arith.addi %add3A_338, %add3A_339 : i32
      %div3A_341 = arith.constant 32 : i32
      %div3A_342 = arith.divsi %add3A_340, %div3A_341 : i32
      %rem3A_343 = arith.constant 32 : i32
      %rem3A_344 = arith.remsi %add3A_340, %rem3A_343 : i32
      %dma_start3A_345 = arith.constant 0 : i32
      %dma_start3A_346 = arith.constant 0 : i32
      %dma_start3A_347 = arith.constant 0 : i32
      %dma_start3A_348 = tpu.memref_slice %arg10[%dma_start3A_345, %dma_start3A_346, %dma_start3A_347] : memref<8x8x129xf32, #tpu.memory_space<vmem>> -> memref<8x8x128xf32, #tpu.memory_space<vmem>>
      %dma_start3A_349 = arith.constant 0 : i32
      %dma_start3A_350 = arith.constant 0 : i32
      %dma_start3A_351 = arith.constant 0 : i32
      %dma_start3A_352 = tpu.memref_slice %arg4[%div3A_342, %dma_start3A_349, %rem3A_344, %dma_start3A_350, %dma_start3A_351] : memref<200x8x32x8x128xf32, #tpu.memory_space<hbm>> -> memref<1x8x1x8x128xf32, #tpu.memory_space<hbm>>
      %dma_start3A_353 = tpu.memref_squeeze %dma_start3A_352 : memref<1x8x1x8x128xf32, #tpu.memory_space<hbm>> -> memref<8x8x128xf32, #tpu.memory_space<hbm>>
      %dma_start3A_354 = arith.constant 0 : i32
      %dma_start3A_355 = arith.constant 0 : i32
      %dma_start3A_356 = arith.constant 0 : i32
      %dma_start3A_357 = tpu.memref_slice %arg4[%div3A_342, %dma_start3A_354, %rem3A_344, %dma_start3A_355, %dma_start3A_356] : memref<200x8x32x8x128xf32, #tpu.memory_space<hbm>> -> memref<1x8x1x8x128xf32, #tpu.memory_space<hbm>>
      %dma_start3A_358 = tpu.memref_squeeze %dma_start3A_357 : memref<1x8x1x8x128xf32, #tpu.memory_space<hbm>> -> memref<8x8x128xf32, #tpu.memory_space<hbm>>
      %dma_start3A_359 = arith.constant 0 : i32
      %dma_start3A_360 = arith.constant 0 : i32
      %dma_start3A_361 = arith.constant 0 : i32
      %dma_start3A_362 = tpu.memref_slice %arg10[%dma_start3A_359, %dma_start3A_360, %dma_start3A_361] : memref<8x8x129xf32, #tpu.memory_space<vmem>> -> memref<8x8x128xf32, #tpu.memory_space<vmem>>
      tpu.enqueue_dma source(%dma_start3A_362 : memref<8x8x128xf32, #tpu.memory_space<vmem>>) target(%dma_start3A_358 : memref<8x8x128xf32, #tpu.memory_space<hbm>>) target_semaphore(%arg16 : memref<!tpu.dma_semaphore, #tpu.memory_space<semaphore_mem>>)
      %add3A_363 = arith.constant 0 : i32
      %add3A_364 = arith.addi %mul3A_321, %add3A_363 : i32
      %add3A_365 = arith.constant 4 : i32
      %add3A_366 = arith.addi %add3A_364, %add3A_365 : i32
      %rem3A_367 = arith.constant 200 : i32
      %rem3A_368 = arith.remsi %add3A_366, %rem3A_367 : i32
      %dma_start3A_369 = arith.constant 0 : i32
      %dma_start3A_370 = tpu.memref_slice %arg5[%rem3A_368, %dma_start3A_369] : memref<200x128xi32, #tpu.memory_space<vmem>> -> memref<1x128xi32, #tpu.memory_space<vmem>>
      %dma_start3A_371 = tpu.memref_squeeze %dma_start3A_370 : memref<1x128xi32, #tpu.memory_space<vmem>> -> memref<128xi32, #tpu.memory_space<vmem>>
      %dma_start3A_372 = arith.constant 0 : i32
      %dma_start3A_373 = arith.constant 0 : i32
      %dma_start3A_374 = tpu.memref_slice %arg2[%dma_start3A_372, %dma_start3A_373] : memref<2000000x64xf32, #tpu.memory_space<hbm>> -> memref<2000000x64xf32, #tpu.memory_space<hbm>>
      tpu.enqueue_indirect_dma source(%dma_start3A_374 : memref<2000000x64xf32, #tpu.memory_space<hbm>>) target(%arg6 : memref<128x64xf32, #tpu.memory_space<vmem>>) offsets(%dma_start3A_371 : memref<128xi32, #tpu.memory_space<vmem>>) semaphore(%arg12 : memref<!tpu.dma_semaphore, #tpu.memory_space<semaphore_mem>>)
      %add3A_375 = arith.constant 1 : i32
      %add3A_376 = arith.addi %mul3A_321, %add3A_375 : i32
      %dma_wait3A_377 = arith.constant 0 : i32
      %dma_wait3A_378 = tpu.memref_slice %arg5[%add3A_376, %dma_wait3A_377] : memref<200x128xi32, #tpu.memory_space<vmem>> -> memref<1x128xi32, #tpu.memory_space<vmem>>
      %dma_wait3A_379 = tpu.memref_squeeze %dma_wait3A_378 : memref<1x128xi32, #tpu.memory_space<vmem>> -> memref<128xi32, #tpu.memory_space<vmem>>
      %dma_wait3A_380 = arith.constant 0 : i32
      %dma_wait3A_381 = arith.constant 0 : i32
      %dma_wait3A_382 = tpu.memref_slice %arg2[%dma_wait3A_380, %dma_wait3A_381] : memref<2000000x64xf32, #tpu.memory_space<hbm>> -> memref<2000000x64xf32, #tpu.memory_space<hbm>>
      tpu.wait_indirect_dma semaphore(%arg13 : memref<!tpu.dma_semaphore, #tpu.memory_space<semaphore_mem>>) src(%dma_wait3A_382 : memref<2000000x64xf32, #tpu.memory_space<hbm>>) dst(%arg7 : memref<128x64xf32, #tpu.memory_space<vmem>>)
      %ge3A_383 = arith.constant 1 : i32
      %ge3A_384 = arith.cmpi sge, %scan3A_319, %ge3A_383 : i32
      %convert_element_type3A_385 = arith.extui %ge3A_384 : i1 to i32
      %cond3A_386 = arith.constant 0 : i32
      %cond3A_387 = arith.cmpi ne, %convert_element_type3A_385, %cond3A_386 : i32
      scf.if %cond3A_387 {
        %dma_wait3A_573 = arith.constant 0 : i32
        %dma_wait3A_574 = arith.constant 0 : i32
        %dma_wait3A_575 = arith.constant 0 : i32
        %dma_wait3A_576 = arith.constant 0 : i32
        %dma_wait3A_577 = arith.constant 0 : i32
        %dma_wait3A_578 = tpu.memref_slice %arg11[%dma_wait3A_575, %dma_wait3A_576, %dma_wait3A_577] : memref<8x8x129xf32, #tpu.memory_space<vmem>> -> memref<8x8x128xf32, #tpu.memory_space<vmem>>
        %dma_wait3A_579 = arith.constant 0 : i32
        %dma_wait3A_580 = arith.constant 0 : i32
        %dma_wait3A_581 = arith.constant 0 : i32
        %dma_wait3A_582 = tpu.memref_slice %arg4[%dma_wait3A_573, %dma_wait3A_579, %dma_wait3A_574, %dma_wait3A_580, %dma_wait3A_581] : memref<200x8x32x8x128xf32, #tpu.memory_space<hbm>> -> memref<1x8x1x8x128xf32, #tpu.memory_space<hbm>>
        %dma_wait3A_583 = tpu.memref_squeeze %dma_wait3A_582 : memref<1x8x1x8x128xf32, #tpu.memory_space<hbm>> -> memref<8x8x128xf32, #tpu.memory_space<hbm>>
        %dma_wait3A_584 = arith.constant 0 : i32
        %dma_wait3A_585 = arith.constant 0 : i32
        %dma_wait3A_586 = arith.constant 0 : i32
        %dma_wait3A_587 = tpu.memref_slice %arg4[%dma_wait3A_573, %dma_wait3A_584, %dma_wait3A_574, %dma_wait3A_585, %dma_wait3A_586] : memref<200x8x32x8x128xf32, #tpu.memory_space<hbm>> -> memref<1x8x1x8x128xf32, #tpu.memory_space<hbm>>
        %dma_wait3A_588 = tpu.memref_squeeze %dma_wait3A_587 : memref<1x8x1x8x128xf32, #tpu.memory_space<hbm>> -> memref<8x8x128xf32, #tpu.memory_space<hbm>>
        %dma_wait3A_589 = arith.constant 0 : i32
        %dma_wait3A_590 = arith.constant 0 : i32
        %dma_wait3A_591 = arith.constant 0 : i32
        %dma_wait3A_592 = tpu.memref_slice %arg11[%dma_wait3A_589, %dma_wait3A_590, %dma_wait3A_591] : memref<8x8x129xf32, #tpu.memory_space<vmem>> -> memref<8x8x128xf32, #tpu.memory_space<vmem>>
        tpu.wait_dma2 semaphore(%arg17 : memref<!tpu.dma_semaphore, #tpu.memory_space<semaphore_mem>>) src(%dma_wait3A_592 : memref<8x8x128xf32, #tpu.memory_space<vmem>>) dst(%dma_wait3A_588 : memref<8x8x128xf32, #tpu.memory_space<hbm>>)
      } else {
      }
      %scan3A_388 = arith.constant 0 : i32
      %scan3A_389 = arith.constant 0 : i32
      %scan3A_390 = arith.constant 32 : i32
      %scan3A_391 = arith.addi %scan3A_389, %scan3A_390 : i32
      %scan3A_392 = arith.constant 1 : i32
      scf.for %scan3A_573 = %scan3A_389 to %scan3A_391 step %scan3A_392  : i32 {
        %mul3A_574 = arith.constant 4 : i32
        %mul3A_575 = arith.muli %scan3A_573, %mul3A_574 : i32
        %add3A_576 = arith.constant 0 : i32
        %add3A_577 = arith.addi %mul3A_575, %add3A_576 : i32
        %broadcast_in_dim3A = arith.constant 0 : i32
        %broadcast_in_dim3A_578 = vector.broadcast %broadcast_in_dim3A : i32 to vector<16xi32>
        %add3A_579 = vector.broadcast %add3A_577 : i32 to vector<16xi32>
        %add3A_580 = arith.addi %broadcast_in_dim3A_578, %add3A_579 : vector<16xi32>
        %get3A = arith.index_cast %add3A_577 : i32 to index
        %get3A_581 = arith.constant 0 : index
        %get3A_582 = tpu.vector_load %arg7[%get3A, %get3A_581] {strides = array<i32>} : memref<128x64xf32, #tpu.memory_space<vmem>>, vector<16xf32>,
        %mul3A_583 = arith.constant 8.000000e+00 : f32
        %mul3A_584 = vector.broadcast %mul3A_583 : f32 to vector<16xf32>
        %mul3A_585 = arith.mulf %get3A_582, %mul3A_584 : vector<16xf32>
        %get3A_586 = arith.index_cast %add3A_577 : i32 to index
        %get3A_587 = arith.constant 16 : index
        %get3A_588 = tpu.vector_load %arg7[%get3A_586, %get3A_587] {strides = array<i32>} : memref<128x64xf32, #tpu.memory_space<vmem>>, vector<16xf32>,
        %mul3A_589 = arith.constant 8.000000e+00 : f32
        %mul3A_590 = vector.broadcast %mul3A_589 : f32 to vector<16xf32>
        %mul3A_591 = arith.mulf %get3A_588, %mul3A_590 : vector<16xf32>
        %get3A_592 = arith.index_cast %add3A_577 : i32 to index
        %get3A_593 = arith.constant 32 : index
        %get3A_594 = tpu.vector_load %arg7[%get3A_592, %get3A_593] {strides = array<i32>} : memref<128x64xf32, #tpu.memory_space<vmem>>, vector<16xf32>,
        %mul3A_595 = arith.constant 8.000000e+00 : f32
        %mul3A_596 = vector.broadcast %mul3A_595 : f32 to vector<16xf32>
        %mul3A_597 = arith.mulf %get3A_594, %mul3A_596 : vector<16xf32>
        %get3A_598 = arith.index_cast %add3A_577 : i32 to index
        %get3A_599 = arith.constant 48 : index
        %get3A_600 = tpu.vector_load %arg7[%get3A_598, %get3A_599] {strides = array<i32>} : memref<128x64xf32, #tpu.memory_space<vmem>>, vector<16xf32>,
        %mul3A_601 = arith.constant 8.000000e+00 : f32
        %mul3A_602 = vector.broadcast %mul3A_601 : f32 to vector<16xf32>
        %mul3A_603 = arith.mulf %get3A_600, %mul3A_602 : vector<16xf32>
        tpu.vector_store_idx %arg11[%select_n3A, %select_n3A_153, %add3A_580], %mul3A_585 : memref<8x8x129xf32, #tpu.memory_space<vmem>>[vector<16xi32>, vector<16xi32>, vector<16xi32>], vector<16xf32>,
        tpu.vector_store_idx %arg11[%select_n3A_71, %select_n3A_175, %add3A_580], %mul3A_591 : memref<8x8x129xf32, #tpu.memory_space<vmem>>[vector<16xi32>, vector<16xi32>, vector<16xi32>], vector<16xf32>,
        tpu.vector_store_idx %arg11[%select_n3A_102, %select_n3A_197, %add3A_580], %mul3A_597 : memref<8x8x129xf32, #tpu.memory_space<vmem>>[vector<16xi32>, vector<16xi32>, vector<16xi32>], vector<16xf32>,
        tpu.vector_store_idx %arg11[%select_n3A_133, %select_n3A_219, %add3A_580], %mul3A_603 : memref<8x8x129xf32, #tpu.memory_space<vmem>>[vector<16xi32>, vector<16xi32>, vector<16xi32>], vector<16xf32>,
        %mul3A_604 = arith.constant 4 : i32
        %mul3A_605 = arith.muli %scan3A_573, %mul3A_604 : i32
        %add3A_606 = arith.constant 1 : i32
        %add3A_607 = arith.addi %mul3A_605, %add3A_606 : i32
        %broadcast_in_dim3A_608 = arith.constant 0 : i32
        %broadcast_in_dim3A_609 = vector.broadcast %broadcast_in_dim3A_608 : i32 to vector<16xi32>
        %add3A_610 = vector.broadcast %add3A_607 : i32 to vector<16xi32>
        %add3A_611 = arith.addi %broadcast_in_dim3A_609, %add3A_610 : vector<16xi32>
        %get3A_612 = arith.index_cast %add3A_607 : i32 to index
        %get3A_613 = arith.constant 0 : index
        %get3A_614 = tpu.vector_load %arg7[%get3A_612, %get3A_613] {strides = array<i32>} : memref<128x64xf32, #tpu.memory_space<vmem>>, vector<16xf32>,
        %mul3A_615 = arith.constant 8.000000e+00 : f32
        %mul3A_616 = vector.broadcast %mul3A_615 : f32 to vector<16xf32>
        %mul3A_617 = arith.mulf %get3A_614, %mul3A_616 : vector<16xf32>
        %get3A_618 = arith.index_cast %add3A_607 : i32 to index
        %get3A_619 = arith.constant 16 : index
        %get3A_620 = tpu.vector_load %arg7[%get3A_618, %get3A_619] {strides = array<i32>} : memref<128x64xf32, #tpu.memory_space<vmem>>, vector<16xf32>,
        %mul3A_621 = arith.constant 8.000000e+00 : f32
        %mul3A_622 = vector.broadcast %mul3A_621 : f32 to vector<16xf32>
        %mul3A_623 = arith.mulf %get3A_620, %mul3A_622 : vector<16xf32>
        %get3A_624 = arith.index_cast %add3A_607 : i32 to index
        %get3A_625 = arith.constant 32 : index
        %get3A_626 = tpu.vector_load %arg7[%get3A_624, %get3A_625] {strides = array<i32>} : memref<128x64xf32, #tpu.memory_space<vmem>>, vector<16xf32>,
        %mul3A_627 = arith.constant 8.000000e+00 : f32
        %mul3A_628 = vector.broadcast %mul3A_627 : f32 to vector<16xf32>
        %mul3A_629 = arith.mulf %get3A_626, %mul3A_628 : vector<16xf32>
        %get3A_630 = arith.index_cast %add3A_607 : i32 to index
        %get3A_631 = arith.constant 48 : index
        %get3A_632 = tpu.vector_load %arg7[%get3A_630, %get3A_631] {strides = array<i32>} : memref<128x64xf32, #tpu.memory_space<vmem>>, vector<16xf32>,
        %mul3A_633 = arith.constant 8.000000e+00 : f32
        %mul3A_634 = vector.broadcast %mul3A_633 : f32 to vector<16xf32>
        %mul3A_635 = arith.mulf %get3A_632, %mul3A_634 : vector<16xf32>
        tpu.vector_store_idx %arg11[%select_n3A, %select_n3A_153, %add3A_611], %mul3A_617 : memref<8x8x129xf32, #tpu.memory_space<vmem>>[vector<16xi32>, vector<16xi32>, vector<16xi32>], vector<16xf32>,
        tpu.vector_store_idx %arg11[%select_n3A_71, %select_n3A_175, %add3A_611], %mul3A_623 : memref<8x8x129xf32, #tpu.memory_space<vmem>>[vector<16xi32>, vector<16xi32>, vector<16xi32>], vector<16xf32>,
        tpu.vector_store_idx %arg11[%select_n3A_102, %select_n3A_197, %add3A_611], %mul3A_629 : memref<8x8x129xf32, #tpu.memory_space<vmem>>[vector<16xi32>, vector<16xi32>, vector<16xi32>], vector<16xf32>,
        tpu.vector_store_idx %arg11[%select_n3A_133, %select_n3A_219, %add3A_611], %mul3A_635 : memref<8x8x129xf32, #tpu.memory_space<vmem>>[vector<16xi32>, vector<16xi32>, vector<16xi32>], vector<16xf32>,
        %mul3A_636 = arith.constant 4 : i32
        %mul3A_637 = arith.muli %scan3A_573, %mul3A_636 : i32
        %add3A_638 = arith.constant 2 : i32
        %add3A_639 = arith.addi %mul3A_637, %add3A_638 : i32
        %broadcast_in_dim3A_640 = arith.constant 0 : i32
        %broadcast_in_dim3A_641 = vector.broadcast %broadcast_in_dim3A_640 : i32 to vector<16xi32>
        %add3A_642 = vector.broadcast %add3A_639 : i32 to vector<16xi32>
        %add3A_643 = arith.addi %broadcast_in_dim3A_641, %add3A_642 : vector<16xi32>
        %get3A_644 = arith.index_cast %add3A_639 : i32 to index
        %get3A_645 = arith.constant 0 : index
        %get3A_646 = tpu.vector_load %arg7[%get3A_644, %get3A_645] {strides = array<i32>} : memref<128x64xf32, #tpu.memory_space<vmem>>, vector<16xf32>,
        %mul3A_647 = arith.constant 8.000000e+00 : f32
        %mul3A_648 = vector.broadcast %mul3A_647 : f32 to vector<16xf32>
        %mul3A_649 = arith.mulf %get3A_646, %mul3A_648 : vector<16xf32>
        %get3A_650 = arith.index_cast %add3A_639 : i32 to index
        %get3A_651 = arith.constant 16 : index
        %get3A_652 = tpu.vector_load %arg7[%get3A_650, %get3A_651] {strides = array<i32>} : memref<128x64xf32, #tpu.memory_space<vmem>>, vector<16xf32>,
        %mul3A_653 = arith.constant 8.000000e+00 : f32
        %mul3A_654 = vector.broadcast %mul3A_653 : f32 to vector<16xf32>
        %mul3A_655 = arith.mulf %get3A_652, %mul3A_654 : vector<16xf32>
        %get3A_656 = arith.index_cast %add3A_639 : i32 to index
        %get3A_657 = arith.constant 32 : index
        %get3A_658 = tpu.vector_load %arg7[%get3A_656, %get3A_657] {strides = array<i32>} : memref<128x64xf32, #tpu.memory_space<vmem>>, vector<16xf32>,
        %mul3A_659 = arith.constant 8.000000e+00 : f32
        %mul3A_660 = vector.broadcast %mul3A_659 : f32 to vector<16xf32>
        %mul3A_661 = arith.mulf %get3A_658, %mul3A_660 : vector<16xf32>
        %get3A_662 = arith.index_cast %add3A_639 : i32 to index
        %get3A_663 = arith.constant 48 : index
        %get3A_664 = tpu.vector_load %arg7[%get3A_662, %get3A_663] {strides = array<i32>} : memref<128x64xf32, #tpu.memory_space<vmem>>, vector<16xf32>,
        %mul3A_665 = arith.constant 8.000000e+00 : f32
        %mul3A_666 = vector.broadcast %mul3A_665 : f32 to vector<16xf32>
        %mul3A_667 = arith.mulf %get3A_664, %mul3A_666 : vector<16xf32>
        tpu.vector_store_idx %arg11[%select_n3A, %select_n3A_153, %add3A_643], %mul3A_649 : memref<8x8x129xf32, #tpu.memory_space<vmem>>[vector<16xi32>, vector<16xi32>, vector<16xi32>], vector<16xf32>,
        tpu.vector_store_idx %arg11[%select_n3A_71, %select_n3A_175, %add3A_643], %mul3A_655 : memref<8x8x129xf32, #tpu.memory_space<vmem>>[vector<16xi32>, vector<16xi32>, vector<16xi32>], vector<16xf32>,
        tpu.vector_store_idx %arg11[%select_n3A_102, %select_n3A_197, %add3A_643], %mul3A_661 : memref<8x8x129xf32, #tpu.memory_space<vmem>>[vector<16xi32>, vector<16xi32>, vector<16xi32>], vector<16xf32>,
        tpu.vector_store_idx %arg11[%select_n3A_133, %select_n3A_219, %add3A_643], %mul3A_667 : memref<8x8x129xf32, #tpu.memory_space<vmem>>[vector<16xi32>, vector<16xi32>, vector<16xi32>], vector<16xf32>,
        %mul3A_668 = arith.constant 4 : i32
        %mul3A_669 = arith.muli %scan3A_573, %mul3A_668 : i32
        %add3A_670 = arith.constant 3 : i32
        %add3A_671 = arith.addi %mul3A_669, %add3A_670 : i32
        %broadcast_in_dim3A_672 = arith.constant 0 : i32
        %broadcast_in_dim3A_673 = vector.broadcast %broadcast_in_dim3A_672 : i32 to vector<16xi32>
        %add3A_674 = vector.broadcast %add3A_671 : i32 to vector<16xi32>
        %add3A_675 = arith.addi %broadcast_in_dim3A_673, %add3A_674 : vector<16xi32>
        %get3A_676 = arith.index_cast %add3A_671 : i32 to index
        %get3A_677 = arith.constant 0 : index
        %get3A_678 = tpu.vector_load %arg7[%get3A_676, %get3A_677] {strides = array<i32>} : memref<128x64xf32, #tpu.memory_space<vmem>>, vector<16xf32>,
        %mul3A_679 = arith.constant 8.000000e+00 : f32
        %mul3A_680 = vector.broadcast %mul3A_679 : f32 to vector<16xf32>
        %mul3A_681 = arith.mulf %get3A_678, %mul3A_680 : vector<16xf32>
        %get3A_682 = arith.index_cast %add3A_671 : i32 to index
        %get3A_683 = arith.constant 16 : index
        %get3A_684 = tpu.vector_load %arg7[%get3A_682, %get3A_683] {strides = array<i32>} : memref<128x64xf32, #tpu.memory_space<vmem>>, vector<16xf32>,
        %mul3A_685 = arith.constant 8.000000e+00 : f32
        %mul3A_686 = vector.broadcast %mul3A_685 : f32 to vector<16xf32>
        %mul3A_687 = arith.mulf %get3A_684, %mul3A_686 : vector<16xf32>
        %get3A_688 = arith.index_cast %add3A_671 : i32 to index
        %get3A_689 = arith.constant 32 : index
        %get3A_690 = tpu.vector_load %arg7[%get3A_688, %get3A_689] {strides = array<i32>} : memref<128x64xf32, #tpu.memory_space<vmem>>, vector<16xf32>,
        %mul3A_691 = arith.constant 8.000000e+00 : f32
        %mul3A_692 = vector.broadcast %mul3A_691 : f32 to vector<16xf32>
        %mul3A_693 = arith.mulf %get3A_690, %mul3A_692 : vector<16xf32>
        %get3A_694 = arith.index_cast %add3A_671 : i32 to index
        %get3A_695 = arith.constant 48 : index
        %get3A_696 = tpu.vector_load %arg7[%get3A_694, %get3A_695] {strides = array<i32>} : memref<128x64xf32, #tpu.memory_space<vmem>>, vector<16xf32>,
        %mul3A_697 = arith.constant 8.000000e+00 : f32
        %mul3A_698 = vector.broadcast %mul3A_697 : f32 to vector<16xf32>
        %mul3A_699 = arith.mulf %get3A_696, %mul3A_698 : vector<16xf32>
        tpu.vector_store_idx %arg11[%select_n3A, %select_n3A_153, %add3A_675], %mul3A_681 : memref<8x8x129xf32, #tpu.memory_space<vmem>>[vector<16xi32>, vector<16xi32>, vector<16xi32>], vector<16xf32>,
        tpu.vector_store_idx %arg11[%select_n3A_71, %select_n3A_175, %add3A_675], %mul3A_687 : memref<8x8x129xf32, #tpu.memory_space<vmem>>[vector<16xi32>, vector<16xi32>, vector<16xi32>], vector<16xf32>,
        tpu.vector_store_idx %arg11[%select_n3A_102, %select_n3A_197, %add3A_675], %mul3A_693 : memref<8x8x129xf32, #tpu.memory_space<vmem>>[vector<16xi32>, vector<16xi32>, vector<16xi32>], vector<16xf32>,
        tpu.vector_store_idx %arg11[%select_n3A_133, %select_n3A_219, %add3A_675], %mul3A_699 : memref<8x8x129xf32, #tpu.memory_space<vmem>>[vector<16xi32>, vector<16xi32>, vector<16xi32>], vector<16xf32>,
      }
      %scan3A_393 = arith.constant 32 : i32
      %add3A_394 = arith.addi %mul3A_2, %mul3A_321 : i32
      %add3A_395 = arith.constant 1 : i32
      %add3A_396 = arith.addi %add3A_394, %add3A_395 : i32
      %div3A_397 = arith.constant 32 : i32
      %div3A_398 = arith.divsi %add3A_396, %div3A_397 : i32
      %rem3A_399 = arith.constant 32 : i32
      %rem3A_400 = arith.remsi %add3A_396, %rem3A_399 : i32
      %dma_start3A_401 = arith.constant 0 : i32
      %dma_start3A_402 = arith.constant 0 : i32
      %dma_start3A_403 = arith.constant 0 : i32
      %dma_start3A_404 = tpu.memref_slice %arg11[%dma_start3A_401, %dma_start3A_402, %dma_start3A_403] : memref<8x8x129xf32, #tpu.memory_space<vmem>> -> memref<8x8x128xf32, #tpu.memory_space<vmem>>
      %dma_start3A_405 = arith.constant 0 : i32
      %dma_start3A_406 = arith.constant 0 : i32
      %dma_start3A_407 = arith.constant 0 : i32
      %dma_start3A_408 = tpu.memref_slice %arg4[%div3A_398, %dma_start3A_405, %rem3A_400, %dma_start3A_406, %dma_start3A_407] : memref<200x8x32x8x128xf32, #tpu.memory_space<hbm>> -> memref<1x8x1x8x128xf32, #tpu.memory_space<hbm>>
      %dma_start3A_409 = tpu.memref_squeeze %dma_start3A_408 : memref<1x8x1x8x128xf32, #tpu.memory_space<hbm>> -> memref<8x8x128xf32, #tpu.memory_space<hbm>>
      %dma_start3A_410 = arith.constant 0 : i32
      %dma_start3A_411 = arith.constant 0 : i32
      %dma_start3A_412 = arith.constant 0 : i32
      %dma_start3A_413 = tpu.memref_slice %arg4[%div3A_398, %dma_start3A_410, %rem3A_400, %dma_start3A_411, %dma_start3A_412] : memref<200x8x32x8x128xf32, #tpu.memory_space<hbm>> -> memref<1x8x1x8x128xf32, #tpu.memory_space<hbm>>
      %dma_start3A_414 = tpu.memref_squeeze %dma_start3A_413 : memref<1x8x1x8x128xf32, #tpu.memory_space<hbm>> -> memref<8x8x128xf32, #tpu.memory_space<hbm>>
      %dma_start3A_415 = arith.constant 0 : i32
      %dma_start3A_416 = arith.constant 0 : i32
      %dma_start3A_417 = arith.constant 0 : i32
      %dma_start3A_418 = tpu.memref_slice %arg11[%dma_start3A_415, %dma_start3A_416, %dma_start3A_417] : memref<8x8x129xf32, #tpu.memory_space<vmem>> -> memref<8x8x128xf32, #tpu.memory_space<vmem>>
      tpu.enqueue_dma source(%dma_start3A_418 : memref<8x8x128xf32, #tpu.memory_space<vmem>>) target(%dma_start3A_414 : memref<8x8x128xf32, #tpu.memory_space<hbm>>) target_semaphore(%arg17 : memref<!tpu.dma_semaphore, #tpu.memory_space<semaphore_mem>>)
      %add3A_419 = arith.constant 1 : i32
      %add3A_420 = arith.addi %mul3A_321, %add3A_419 : i32
      %add3A_421 = arith.constant 4 : i32
      %add3A_422 = arith.addi %add3A_420, %add3A_421 : i32
      %rem3A_423 = arith.constant 200 : i32
      %rem3A_424 = arith.remsi %add3A_422, %rem3A_423 : i32
      %dma_start3A_425 = arith.constant 0 : i32
      %dma_start3A_426 = tpu.memref_slice %arg5[%rem3A_424, %dma_start3A_425] : memref<200x128xi32, #tpu.memory_space<vmem>> -> memref<1x128xi32, #tpu.memory_space<vmem>>
      %dma_start3A_427 = tpu.memref_squeeze %dma_start3A_426 : memref<1x128xi32, #tpu.memory_space<vmem>> -> memref<128xi32, #tpu.memory_space<vmem>>
      %dma_start3A_428 = arith.constant 0 : i32
      %dma_start3A_429 = arith.constant 0 : i32
      %dma_start3A_430 = tpu.memref_slice %arg2[%dma_start3A_428, %dma_start3A_429] : memref<2000000x64xf32, #tpu.memory_space<hbm>> -> memref<2000000x64xf32, #tpu.memory_space<hbm>>
      tpu.enqueue_indirect_dma source(%dma_start3A_430 : memref<2000000x64xf32, #tpu.memory_space<hbm>>) target(%arg7 : memref<128x64xf32, #tpu.memory_space<vmem>>) offsets(%dma_start3A_427 : memref<128xi32, #tpu.memory_space<vmem>>) semaphore(%arg13 : memref<!tpu.dma_semaphore, #tpu.memory_space<semaphore_mem>>)
      %add3A_431 = arith.constant 2 : i32
      %add3A_432 = arith.addi %mul3A_321, %add3A_431 : i32
      %dma_wait3A_433 = arith.constant 0 : i32
      %dma_wait3A_434 = tpu.memref_slice %arg5[%add3A_432, %dma_wait3A_433] : memref<200x128xi32, #tpu.memory_space<vmem>> -> memref<1x128xi32, #tpu.memory_space<vmem>>
      %dma_wait3A_435 = tpu.memref_squeeze %dma_wait3A_434 : memref<1x128xi32, #tpu.memory_space<vmem>> -> memref<128xi32, #tpu.memory_space<vmem>>
      %dma_wait3A_436 = arith.constant 0 : i32
      %dma_wait3A_437 = arith.constant 0 : i32
      %dma_wait3A_438 = tpu.memref_slice %arg2[%dma_wait3A_436, %dma_wait3A_437] : memref<2000000x64xf32, #tpu.memory_space<hbm>> -> memref<2000000x64xf32, #tpu.memory_space<hbm>>
      tpu.wait_indirect_dma semaphore(%arg14 : memref<!tpu.dma_semaphore, #tpu.memory_space<semaphore_mem>>) src(%dma_wait3A_438 : memref<2000000x64xf32, #tpu.memory_space<hbm>>) dst(%arg8 : memref<128x64xf32, #tpu.memory_space<vmem>>)
      %dma_wait3A_439 = arith.constant 0 : i32
      %dma_wait3A_440 = arith.constant 0 : i32
      %dma_wait3A_441 = arith.constant 0 : i32
      %dma_wait3A_442 = arith.constant 0 : i32
      %dma_wait3A_443 = arith.constant 0 : i32
      %dma_wait3A_444 = tpu.memref_slice %arg10[%dma_wait3A_441, %dma_wait3A_442, %dma_wait3A_443] : memref<8x8x129xf32, #tpu.memory_space<vmem>> -> memref<8x8x128xf32, #tpu.memory_space<vmem>>
      %dma_wait3A_445 = arith.constant 0 : i32
      %dma_wait3A_446 = arith.constant 0 : i32
      %dma_wait3A_447 = arith.constant 0 : i32
      %dma_wait3A_448 = tpu.memref_slice %arg4[%dma_wait3A_439, %dma_wait3A_445, %dma_wait3A_440, %dma_wait3A_446, %dma_wait3A_447] : memref<200x8x32x8x128xf32, #tpu.memory_space<hbm>> -> memref<1x8x1x8x128xf32, #tpu.memory_space<hbm>>
      %dma_wait3A_449 = tpu.memref_squeeze %dma_wait3A_448 : memref<1x8x1x8x128xf32, #tpu.memory_space<hbm>> -> memref<8x8x128xf32, #tpu.memory_space<hbm>>
      %dma_wait3A_450 = arith.constant 0 : i32
      %dma_wait3A_451 = arith.constant 0 : i32
      %dma_wait3A_452 = arith.constant 0 : i32
      %dma_wait3A_453 = tpu.memref_slice %arg4[%dma_wait3A_439, %dma_wait3A_450, %dma_wait3A_440, %dma_wait3A_451, %dma_wait3A_452] : memref<200x8x32x8x128xf32, #tpu.memory_space<hbm>> -> memref<1x8x1x8x128xf32, #tpu.memory_space<hbm>>
      %dma_wait3A_454 = tpu.memref_squeeze %dma_wait3A_453 : memref<1x8x1x8x128xf32, #tpu.memory_space<hbm>> -> memref<8x8x128xf32, #tpu.memory_space<hbm>>
      %dma_wait3A_455 = arith.constant 0 : i32
      %dma_wait3A_456 = arith.constant 0 : i32
      %dma_wait3A_457 = arith.constant 0 : i32
      %dma_wait3A_458 = tpu.memref_slice %arg10[%dma_wait3A_455, %dma_wait3A_456, %dma_wait3A_457] : memref<8x8x129xf32, #tpu.memory_space<vmem>> -> memref<8x8x128xf32, #tpu.memory_space<vmem>>
      tpu.wait_dma2 semaphore(%arg16 : memref<!tpu.dma_semaphore, #tpu.memory_space<semaphore_mem>>) src(%dma_wait3A_458 : memref<8x8x128xf32, #tpu.memory_space<vmem>>) dst(%dma_wait3A_454 : memref<8x8x128xf32, #tpu.memory_space<hbm>>)
      %scan3A_459 = arith.constant 0 : i32
      %scan3A_460 = arith.constant 0 : i32
      %scan3A_461 = arith.constant 32 : i32
      %scan3A_462 = arith.addi %scan3A_460, %scan3A_461 : i32
      %scan3A_463 = arith.constant 1 : i32
      scf.for %scan3A_573 = %scan3A_460 to %scan3A_462 step %scan3A_463  : i32 {
        %mul3A_574 = arith.constant 4 : i32
        %mul3A_575 = arith.muli %scan3A_573, %mul3A_574 : i32
        %add3A_576 = arith.constant 0 : i32
        %add3A_577 = arith.addi %mul3A_575, %add3A_576 : i32
        %broadcast_in_dim3A = arith.constant 0 : i32
        %broadcast_in_dim3A_578 = vector.broadcast %broadcast_in_dim3A : i32 to vector<16xi32>
        %add3A_579 = vector.broadcast %add3A_577 : i32 to vector<16xi32>
        %add3A_580 = arith.addi %broadcast_in_dim3A_578, %add3A_579 : vector<16xi32>
        %get3A = arith.index_cast %add3A_577 : i32 to index
        %get3A_581 = arith.constant 0 : index
        %get3A_582 = tpu.vector_load %arg8[%get3A, %get3A_581] {strides = array<i32>} : memref<128x64xf32, #tpu.memory_space<vmem>>, vector<16xf32>,
        %mul3A_583 = arith.constant 8.000000e+00 : f32
        %mul3A_584 = vector.broadcast %mul3A_583 : f32 to vector<16xf32>
        %mul3A_585 = arith.mulf %get3A_582, %mul3A_584 : vector<16xf32>
        %get3A_586 = arith.index_cast %add3A_577 : i32 to index
        %get3A_587 = arith.constant 16 : index
        %get3A_588 = tpu.vector_load %arg8[%get3A_586, %get3A_587] {strides = array<i32>} : memref<128x64xf32, #tpu.memory_space<vmem>>, vector<16xf32>,
        %mul3A_589 = arith.constant 8.000000e+00 : f32
        %mul3A_590 = vector.broadcast %mul3A_589 : f32 to vector<16xf32>
        %mul3A_591 = arith.mulf %get3A_588, %mul3A_590 : vector<16xf32>
        %get3A_592 = arith.index_cast %add3A_577 : i32 to index
        %get3A_593 = arith.constant 32 : index
        %get3A_594 = tpu.vector_load %arg8[%get3A_592, %get3A_593] {strides = array<i32>} : memref<128x64xf32, #tpu.memory_space<vmem>>, vector<16xf32>,
        %mul3A_595 = arith.constant 8.000000e+00 : f32
        %mul3A_596 = vector.broadcast %mul3A_595 : f32 to vector<16xf32>
        %mul3A_597 = arith.mulf %get3A_594, %mul3A_596 : vector<16xf32>
        %get3A_598 = arith.index_cast %add3A_577 : i32 to index
        %get3A_599 = arith.constant 48 : index
        %get3A_600 = tpu.vector_load %arg8[%get3A_598, %get3A_599] {strides = array<i32>} : memref<128x64xf32, #tpu.memory_space<vmem>>, vector<16xf32>,
        %mul3A_601 = arith.constant 8.000000e+00 : f32
        %mul3A_602 = vector.broadcast %mul3A_601 : f32 to vector<16xf32>
        %mul3A_603 = arith.mulf %get3A_600, %mul3A_602 : vector<16xf32>
        tpu.vector_store_idx %arg10[%select_n3A, %select_n3A_153, %add3A_580], %mul3A_585 : memref<8x8x129xf32, #tpu.memory_space<vmem>>[vector<16xi32>, vector<16xi32>, vector<16xi32>], vector<16xf32>,
        tpu.vector_store_idx %arg10[%select_n3A_71, %select_n3A_175, %add3A_580], %mul3A_591 : memref<8x8x129xf32, #tpu.memory_space<vmem>>[vector<16xi32>, vector<16xi32>, vector<16xi32>], vector<16xf32>,
        tpu.vector_store_idx %arg10[%select_n3A_102, %select_n3A_197, %add3A_580], %mul3A_597 : memref<8x8x129xf32, #tpu.memory_space<vmem>>[vector<16xi32>, vector<16xi32>, vector<16xi32>], vector<16xf32>,
        tpu.vector_store_idx %arg10[%select_n3A_133, %select_n3A_219, %add3A_580], %mul3A_603 : memref<8x8x129xf32, #tpu.memory_space<vmem>>[vector<16xi32>, vector<16xi32>, vector<16xi32>], vector<16xf32>,
        %mul3A_604 = arith.constant 4 : i32
        %mul3A_605 = arith.muli %scan3A_573, %mul3A_604 : i32
        %add3A_606 = arith.constant 1 : i32
        %add3A_607 = arith.addi %mul3A_605, %add3A_606 : i32
        %broadcast_in_dim3A_608 = arith.constant 0 : i32
        %broadcast_in_dim3A_609 = vector.broadcast %broadcast_in_dim3A_608 : i32 to vector<16xi32>
        %add3A_610 = vector.broadcast %add3A_607 : i32 to vector<16xi32>
        %add3A_611 = arith.addi %broadcast_in_dim3A_609, %add3A_610 : vector<16xi32>
        %get3A_612 = arith.index_cast %add3A_607 : i32 to index
        %get3A_613 = arith.constant 0 : index
        %get3A_614 = tpu.vector_load %arg8[%get3A_612, %get3A_613] {strides = array<i32>} : memref<128x64xf32, #tpu.memory_space<vmem>>, vector<16xf32>,
        %mul3A_615 = arith.constant 8.000000e+00 : f32
        %mul3A_616 = vector.broadcast %mul3A_615 : f32 to vector<16xf32>
        %mul3A_617 = arith.mulf %get3A_614, %mul3A_616 : vector<16xf32>
        %get3A_618 = arith.index_cast %add3A_607 : i32 to index
        %get3A_619 = arith.constant 16 : index
        %get3A_620 = tpu.vector_load %arg8[%get3A_618, %get3A_619] {strides = array<i32>} : memref<128x64xf32, #tpu.memory_space<vmem>>, vector<16xf32>,
        %mul3A_621 = arith.constant 8.000000e+00 : f32
        %mul3A_622 = vector.broadcast %mul3A_621 : f32 to vector<16xf32>
        %mul3A_623 = arith.mulf %get3A_620, %mul3A_622 : vector<16xf32>
        %get3A_624 = arith.index_cast %add3A_607 : i32 to index
        %get3A_625 = arith.constant 32 : index
        %get3A_626 = tpu.vector_load %arg8[%get3A_624, %get3A_625] {strides = array<i32>} : memref<128x64xf32, #tpu.memory_space<vmem>>, vector<16xf32>,
        %mul3A_627 = arith.constant 8.000000e+00 : f32
        %mul3A_628 = vector.broadcast %mul3A_627 : f32 to vector<16xf32>
        %mul3A_629 = arith.mulf %get3A_626, %mul3A_628 : vector<16xf32>
        %get3A_630 = arith.index_cast %add3A_607 : i32 to index
        %get3A_631 = arith.constant 48 : index
        %get3A_632 = tpu.vector_load %arg8[%get3A_630, %get3A_631] {strides = array<i32>} : memref<128x64xf32, #tpu.memory_space<vmem>>, vector<16xf32>,
        %mul3A_633 = arith.constant 8.000000e+00 : f32
        %mul3A_634 = vector.broadcast %mul3A_633 : f32 to vector<16xf32>
        %mul3A_635 = arith.mulf %get3A_632, %mul3A_634 : vector<16xf32>
        tpu.vector_store_idx %arg10[%select_n3A, %select_n3A_153, %add3A_611], %mul3A_617 : memref<8x8x129xf32, #tpu.memory_space<vmem>>[vector<16xi32>, vector<16xi32>, vector<16xi32>], vector<16xf32>,
        tpu.vector_store_idx %arg10[%select_n3A_71, %select_n3A_175, %add3A_611], %mul3A_623 : memref<8x8x129xf32, #tpu.memory_space<vmem>>[vector<16xi32>, vector<16xi32>, vector<16xi32>], vector<16xf32>,
        tpu.vector_store_idx %arg10[%select_n3A_102, %select_n3A_197, %add3A_611], %mul3A_629 : memref<8x8x129xf32, #tpu.memory_space<vmem>>[vector<16xi32>, vector<16xi32>, vector<16xi32>], vector<16xf32>,
        tpu.vector_store_idx %arg10[%select_n3A_133, %select_n3A_219, %add3A_611], %mul3A_635 : memref<8x8x129xf32, #tpu.memory_space<vmem>>[vector<16xi32>, vector<16xi32>, vector<16xi32>], vector<16xf32>,
        %mul3A_636 = arith.constant 4 : i32
        %mul3A_637 = arith.muli %scan3A_573, %mul3A_636 : i32
        %add3A_638 = arith.constant 2 : i32
        %add3A_639 = arith.addi %mul3A_637, %add3A_638 : i32
        %broadcast_in_dim3A_640 = arith.constant 0 : i32
        %broadcast_in_dim3A_641 = vector.broadcast %broadcast_in_dim3A_640 : i32 to vector<16xi32>
        %add3A_642 = vector.broadcast %add3A_639 : i32 to vector<16xi32>
        %add3A_643 = arith.addi %broadcast_in_dim3A_641, %add3A_642 : vector<16xi32>
        %get3A_644 = arith.index_cast %add3A_639 : i32 to index
        %get3A_645 = arith.constant 0 : index
        %get3A_646 = tpu.vector_load %arg8[%get3A_644, %get3A_645] {strides = array<i32>} : memref<128x64xf32, #tpu.memory_space<vmem>>, vector<16xf32>,
        %mul3A_647 = arith.constant 8.000000e+00 : f32
        %mul3A_648 = vector.broadcast %mul3A_647 : f32 to vector<16xf32>
        %mul3A_649 = arith.mulf %get3A_646, %mul3A_648 : vector<16xf32>
        %get3A_650 = arith.index_cast %add3A_639 : i32 to index
        %get3A_651 = arith.constant 16 : index
        %get3A_652 = tpu.vector_load %arg8[%get3A_650, %get3A_651] {strides = array<i32>} : memref<128x64xf32, #tpu.memory_space<vmem>>, vector<16xf32>,
        %mul3A_653 = arith.constant 8.000000e+00 : f32
        %mul3A_654 = vector.broadcast %mul3A_653 : f32 to vector<16xf32>
        %mul3A_655 = arith.mulf %get3A_652, %mul3A_654 : vector<16xf32>
        %get3A_656 = arith.index_cast %add3A_639 : i32 to index
        %get3A_657 = arith.constant 32 : index
        %get3A_658 = tpu.vector_load %arg8[%get3A_656, %get3A_657] {strides = array<i32>} : memref<128x64xf32, #tpu.memory_space<vmem>>, vector<16xf32>,
        %mul3A_659 = arith.constant 8.000000e+00 : f32
        %mul3A_660 = vector.broadcast %mul3A_659 : f32 to vector<16xf32>
        %mul3A_661 = arith.mulf %get3A_658, %mul3A_660 : vector<16xf32>
        %get3A_662 = arith.index_cast %add3A_639 : i32 to index
        %get3A_663 = arith.constant 48 : index
        %get3A_664 = tpu.vector_load %arg8[%get3A_662, %get3A_663] {strides = array<i32>} : memref<128x64xf32, #tpu.memory_space<vmem>>, vector<16xf32>,
        %mul3A_665 = arith.constant 8.000000e+00 : f32
        %mul3A_666 = vector.broadcast %mul3A_665 : f32 to vector<16xf32>
        %mul3A_667 = arith.mulf %get3A_664, %mul3A_666 : vector<16xf32>
        tpu.vector_store_idx %arg10[%select_n3A, %select_n3A_153, %add3A_643], %mul3A_649 : memref<8x8x129xf32, #tpu.memory_space<vmem>>[vector<16xi32>, vector<16xi32>, vector<16xi32>], vector<16xf32>,
        tpu.vector_store_idx %arg10[%select_n3A_71, %select_n3A_175, %add3A_643], %mul3A_655 : memref<8x8x129xf32, #tpu.memory_space<vmem>>[vector<16xi32>, vector<16xi32>, vector<16xi32>], vector<16xf32>,
        tpu.vector_store_idx %arg10[%select_n3A_102, %select_n3A_197, %add3A_643], %mul3A_661 : memref<8x8x129xf32, #tpu.memory_space<vmem>>[vector<16xi32>, vector<16xi32>, vector<16xi32>], vector<16xf32>,
        tpu.vector_store_idx %arg10[%select_n3A_133, %select_n3A_219, %add3A_643], %mul3A_667 : memref<8x8x129xf32, #tpu.memory_space<vmem>>[vector<16xi32>, vector<16xi32>, vector<16xi32>], vector<16xf32>,
        %mul3A_668 = arith.constant 4 : i32
        %mul3A_669 = arith.muli %scan3A_573, %mul3A_668 : i32
        %add3A_670 = arith.constant 3 : i32
        %add3A_671 = arith.addi %mul3A_669, %add3A_670 : i32
        %broadcast_in_dim3A_672 = arith.constant 0 : i32
        %broadcast_in_dim3A_673 = vector.broadcast %broadcast_in_dim3A_672 : i32 to vector<16xi32>
        %add3A_674 = vector.broadcast %add3A_671 : i32 to vector<16xi32>
        %add3A_675 = arith.addi %broadcast_in_dim3A_673, %add3A_674 : vector<16xi32>
        %get3A_676 = arith.index_cast %add3A_671 : i32 to index
        %get3A_677 = arith.constant 0 : index
        %get3A_678 = tpu.vector_load %arg8[%get3A_676, %get3A_677] {strides = array<i32>} : memref<128x64xf32, #tpu.memory_space<vmem>>, vector<16xf32>,
        %mul3A_679 = arith.constant 8.000000e+00 : f32
        %mul3A_680 = vector.broadcast %mul3A_679 : f32 to vector<16xf32>
        %mul3A_681 = arith.mulf %get3A_678, %mul3A_680 : vector<16xf32>
        %get3A_682 = arith.index_cast %add3A_671 : i32 to index
        %get3A_683 = arith.constant 16 : index
        %get3A_684 = tpu.vector_load %arg8[%get3A_682, %get3A_683] {strides = array<i32>} : memref<128x64xf32, #tpu.memory_space<vmem>>, vector<16xf32>,
        %mul3A_685 = arith.constant 8.000000e+00 : f32
        %mul3A_686 = vector.broadcast %mul3A_685 : f32 to vector<16xf32>
        %mul3A_687 = arith.mulf %get3A_684, %mul3A_686 : vector<16xf32>
        %get3A_688 = arith.index_cast %add3A_671 : i32 to index
        %get3A_689 = arith.constant 32 : index
        %get3A_690 = tpu.vector_load %arg8[%get3A_688, %get3A_689] {strides = array<i32>} : memref<128x64xf32, #tpu.memory_space<vmem>>, vector<16xf32>,
        %mul3A_691 = arith.constant 8.000000e+00 : f32
        %mul3A_692 = vector.broadcast %mul3A_691 : f32 to vector<16xf32>
        %mul3A_693 = arith.mulf %get3A_690, %mul3A_692 : vector<16xf32>
        %get3A_694 = arith.index_cast %add3A_671 : i32 to index
        %get3A_695 = arith.constant 48 : index
        %get3A_696 = tpu.vector_load %arg8[%get3A_694, %get3A_695] {strides = array<i32>} : memref<128x64xf32, #tpu.memory_space<vmem>>, vector<16xf32>,
        %mul3A_697 = arith.constant 8.000000e+00 : f32
        %mul3A_698 = vector.broadcast %mul3A_697 : f32 to vector<16xf32>
        %mul3A_699 = arith.mulf %get3A_696, %mul3A_698 : vector<16xf32>
        tpu.vector_store_idx %arg10[%select_n3A, %select_n3A_153, %add3A_675], %mul3A_681 : memref<8x8x129xf32, #tpu.memory_space<vmem>>[vector<16xi32>, vector<16xi32>, vector<16xi32>], vector<16xf32>,
        tpu.vector_store_idx %arg10[%select_n3A_71, %select_n3A_175, %add3A_675], %mul3A_687 : memref<8x8x129xf32, #tpu.memory_space<vmem>>[vector<16xi32>, vector<16xi32>, vector<16xi32>], vector<16xf32>,
        tpu.vector_store_idx %arg10[%select_n3A_102, %select_n3A_197, %add3A_675], %mul3A_693 : memref<8x8x129xf32, #tpu.memory_space<vmem>>[vector<16xi32>, vector<16xi32>, vector<16xi32>], vector<16xf32>,
        tpu.vector_store_idx %arg10[%select_n3A_133, %select_n3A_219, %add3A_675], %mul3A_699 : memref<8x8x129xf32, #tpu.memory_space<vmem>>[vector<16xi32>, vector<16xi32>, vector<16xi32>], vector<16xf32>,
      }
      %scan3A_464 = arith.constant 32 : i32
      %add3A_465 = arith.addi %mul3A_2, %mul3A_321 : i32
      %add3A_466 = arith.constant 2 : i32
      %add3A_467 = arith.addi %add3A_465, %add3A_466 : i32
      %div3A_468 = arith.constant 32 : i32
      %div3A_469 = arith.divsi %add3A_467, %div3A_468 : i32
      %rem3A_470 = arith.constant 32 : i32
      %rem3A_471 = arith.remsi %add3A_467, %rem3A_470 : i32
      %dma_start3A_472 = arith.constant 0 : i32
      %dma_start3A_473 = arith.constant 0 : i32
      %dma_start3A_474 = arith.constant 0 : i32
      %dma_start3A_475 = tpu.memref_slice %arg10[%dma_start3A_472, %dma_start3A_473, %dma_start3A_474] : memref<8x8x129xf32, #tpu.memory_space<vmem>> -> memref<8x8x128xf32, #tpu.memory_space<vmem>>
      %dma_start3A_476 = arith.constant 0 : i32
      %dma_start3A_477 = arith.constant 0 : i32
      %dma_start3A_478 = arith.constant 0 : i32
      %dma_start3A_479 = tpu.memref_slice %arg4[%div3A_469, %dma_start3A_476, %rem3A_471, %dma_start3A_477, %dma_start3A_478] : memref<200x8x32x8x128xf32, #tpu.memory_space<hbm>> -> memref<1x8x1x8x128xf32, #tpu.memory_space<hbm>>
      %dma_start3A_480 = tpu.memref_squeeze %dma_start3A_479 : memref<1x8x1x8x128xf32, #tpu.memory_space<hbm>> -> memref<8x8x128xf32, #tpu.memory_space<hbm>>
      %dma_start3A_481 = arith.constant 0 : i32
      %dma_start3A_482 = arith.constant 0 : i32
      %dma_start3A_483 = arith.constant 0 : i32
      %dma_start3A_484 = tpu.memref_slice %arg4[%div3A_469, %dma_start3A_481, %rem3A_471, %dma_start3A_482, %dma_start3A_483] : memref<200x8x32x8x128xf32, #tpu.memory_space<hbm>> -> memref<1x8x1x8x128xf32, #tpu.memory_space<hbm>>
      %dma_start3A_485 = tpu.memref_squeeze %dma_start3A_484 : memref<1x8x1x8x128xf32, #tpu.memory_space<hbm>> -> memref<8x8x128xf32, #tpu.memory_space<hbm>>
      %dma_start3A_486 = arith.constant 0 : i32
      %dma_start3A_487 = arith.constant 0 : i32
      %dma_start3A_488 = arith.constant 0 : i32
      %dma_start3A_489 = tpu.memref_slice %arg10[%dma_start3A_486, %dma_start3A_487, %dma_start3A_488] : memref<8x8x129xf32, #tpu.memory_space<vmem>> -> memref<8x8x128xf32, #tpu.memory_space<vmem>>
      tpu.enqueue_dma source(%dma_start3A_489 : memref<8x8x128xf32, #tpu.memory_space<vmem>>) target(%dma_start3A_485 : memref<8x8x128xf32, #tpu.memory_space<hbm>>) target_semaphore(%arg16 : memref<!tpu.dma_semaphore, #tpu.memory_space<semaphore_mem>>)
      %add3A_490 = arith.constant 2 : i32
      %add3A_491 = arith.addi %mul3A_321, %add3A_490 : i32
      %add3A_492 = arith.constant 4 : i32
      %add3A_493 = arith.addi %add3A_491, %add3A_492 : i32
      %rem3A_494 = arith.constant 200 : i32
      %rem3A_495 = arith.remsi %add3A_493, %rem3A_494 : i32
      %dma_start3A_496 = arith.constant 0 : i32
      %dma_start3A_497 = tpu.memref_slice %arg5[%rem3A_495, %dma_start3A_496] : memref<200x128xi32, #tpu.memory_space<vmem>> -> memref<1x128xi32, #tpu.memory_space<vmem>>
      %dma_start3A_498 = tpu.memref_squeeze %dma_start3A_497 : memref<1x128xi32, #tpu.memory_space<vmem>> -> memref<128xi32, #tpu.memory_space<vmem>>
      %dma_start3A_499 = arith.constant 0 : i32
      %dma_start3A_500 = arith.constant 0 : i32
      %dma_start3A_501 = tpu.memref_slice %arg2[%dma_start3A_499, %dma_start3A_500] : memref<2000000x64xf32, #tpu.memory_space<hbm>> -> memref<2000000x64xf32, #tpu.memory_space<hbm>>
      tpu.enqueue_indirect_dma source(%dma_start3A_501 : memref<2000000x64xf32, #tpu.memory_space<hbm>>) target(%arg8 : memref<128x64xf32, #tpu.memory_space<vmem>>) offsets(%dma_start3A_498 : memref<128xi32, #tpu.memory_space<vmem>>) semaphore(%arg14 : memref<!tpu.dma_semaphore, #tpu.memory_space<semaphore_mem>>)
      %add3A_502 = arith.constant 3 : i32
      %add3A_503 = arith.addi %mul3A_321, %add3A_502 : i32
      %dma_wait3A_504 = arith.constant 0 : i32
      %dma_wait3A_505 = tpu.memref_slice %arg5[%add3A_503, %dma_wait3A_504] : memref<200x128xi32, #tpu.memory_space<vmem>> -> memref<1x128xi32, #tpu.memory_space<vmem>>
      %dma_wait3A_506 = tpu.memref_squeeze %dma_wait3A_505 : memref<1x128xi32, #tpu.memory_space<vmem>> -> memref<128xi32, #tpu.memory_space<vmem>>
      %dma_wait3A_507 = arith.constant 0 : i32
      %dma_wait3A_508 = arith.constant 0 : i32
      %dma_wait3A_509 = tpu.memref_slice %arg2[%dma_wait3A_507, %dma_wait3A_508] : memref<2000000x64xf32, #tpu.memory_space<hbm>> -> memref<2000000x64xf32, #tpu.memory_space<hbm>>
      tpu.wait_indirect_dma semaphore(%arg15 : memref<!tpu.dma_semaphore, #tpu.memory_space<semaphore_mem>>) src(%dma_wait3A_509 : memref<2000000x64xf32, #tpu.memory_space<hbm>>) dst(%arg9 : memref<128x64xf32, #tpu.memory_space<vmem>>)
      %dma_wait3A_510 = arith.constant 0 : i32
      %dma_wait3A_511 = arith.constant 0 : i32
      %dma_wait3A_512 = arith.constant 0 : i32
      %dma_wait3A_513 = arith.constant 0 : i32
      %dma_wait3A_514 = arith.constant 0 : i32
      %dma_wait3A_515 = tpu.memref_slice %arg11[%dma_wait3A_512, %dma_wait3A_513, %dma_wait3A_514] : memref<8x8x129xf32, #tpu.memory_space<vmem>> -> memref<8x8x128xf32, #tpu.memory_space<vmem>>
      %dma_wait3A_516 = arith.constant 0 : i32
      %dma_wait3A_517 = arith.constant 0 : i32
      %dma_wait3A_518 = arith.constant 0 : i32
      %dma_wait3A_519 = tpu.memref_slice %arg4[%dma_wait3A_510, %dma_wait3A_516, %dma_wait3A_511, %dma_wait3A_517, %dma_wait3A_518] : memref<200x8x32x8x128xf32, #tpu.memory_space<hbm>> -> memref<1x8x1x8x128xf32, #tpu.memory_space<hbm>>
      %dma_wait3A_520 = tpu.memref_squeeze %dma_wait3A_519 : memref<1x8x1x8x128xf32, #tpu.memory_space<hbm>> -> memref<8x8x128xf32, #tpu.memory_space<hbm>>
      %dma_wait3A_521 = arith.constant 0 : i32
      %dma_wait3A_522 = arith.constant 0 : i32
      %dma_wait3A_523 = arith.constant 0 : i32
      %dma_wait3A_524 = tpu.memref_slice %arg4[%dma_wait3A_510, %dma_wait3A_521, %dma_wait3A_511, %dma_wait3A_522, %dma_wait3A_523] : memref<200x8x32x8x128xf32, #tpu.memory_space<hbm>> -> memref<1x8x1x8x128xf32, #tpu.memory_space<hbm>>
      %dma_wait3A_525 = tpu.memref_squeeze %dma_wait3A_524 : memref<1x8x1x8x128xf32, #tpu.memory_space<hbm>> -> memref<8x8x128xf32, #tpu.memory_space<hbm>>
      %dma_wait3A_526 = arith.constant 0 : i32
      %dma_wait3A_527 = arith.constant 0 : i32
      %dma_wait3A_528 = arith.constant 0 : i32
      %dma_wait3A_529 = tpu.memref_slice %arg11[%dma_wait3A_526, %dma_wait3A_527, %dma_wait3A_528] : memref<8x8x129xf32, #tpu.memory_space<vmem>> -> memref<8x8x128xf32, #tpu.memory_space<vmem>>
      tpu.wait_dma2 semaphore(%arg17 : memref<!tpu.dma_semaphore, #tpu.memory_space<semaphore_mem>>) src(%dma_wait3A_529 : memref<8x8x128xf32, #tpu.memory_space<vmem>>) dst(%dma_wait3A_525 : memref<8x8x128xf32, #tpu.memory_space<hbm>>)
      %scan3A_530 = arith.constant 0 : i32
      %scan3A_531 = arith.constant 0 : i32
      %scan3A_532 = arith.constant 32 : i32
      %scan3A_533 = arith.addi %scan3A_531, %scan3A_532 : i32
      %scan3A_534 = arith.constant 1 : i32
      scf.for %scan3A_573 = %scan3A_531 to %scan3A_533 step %scan3A_534  : i32 {
        %mul3A_574 = arith.constant 4 : i32
        %mul3A_575 = arith.muli %scan3A_573, %mul3A_574 : i32
        %add3A_576 = arith.constant 0 : i32
        %add3A_577 = arith.addi %mul3A_575, %add3A_576 : i32
        %broadcast_in_dim3A = arith.constant 0 : i32
        %broadcast_in_dim3A_578 = vector.broadcast %broadcast_in_dim3A : i32 to vector<16xi32>
        %add3A_579 = vector.broadcast %add3A_577 : i32 to vector<16xi32>
        %add3A_580 = arith.addi %broadcast_in_dim3A_578, %add3A_579 : vector<16xi32>
        %get3A = arith.index_cast %add3A_577 : i32 to index
        %get3A_581 = arith.constant 0 : index
        %get3A_582 = tpu.vector_load %arg9[%get3A, %get3A_581] {strides = array<i32>} : memref<128x64xf32, #tpu.memory_space<vmem>>, vector<16xf32>,
        %mul3A_583 = arith.constant 8.000000e+00 : f32
        %mul3A_584 = vector.broadcast %mul3A_583 : f32 to vector<16xf32>
        %mul3A_585 = arith.mulf %get3A_582, %mul3A_584 : vector<16xf32>
        %get3A_586 = arith.index_cast %add3A_577 : i32 to index
        %get3A_587 = arith.constant 16 : index
        %get3A_588 = tpu.vector_load %arg9[%get3A_586, %get3A_587] {strides = array<i32>} : memref<128x64xf32, #tpu.memory_space<vmem>>, vector<16xf32>,
        %mul3A_589 = arith.constant 8.000000e+00 : f32
        %mul3A_590 = vector.broadcast %mul3A_589 : f32 to vector<16xf32>
        %mul3A_591 = arith.mulf %get3A_588, %mul3A_590 : vector<16xf32>
        %get3A_592 = arith.index_cast %add3A_577 : i32 to index
        %get3A_593 = arith.constant 32 : index
        %get3A_594 = tpu.vector_load %arg9[%get3A_592, %get3A_593] {strides = array<i32>} : memref<128x64xf32, #tpu.memory_space<vmem>>, vector<16xf32>,
        %mul3A_595 = arith.constant 8.000000e+00 : f32
        %mul3A_596 = vector.broadcast %mul3A_595 : f32 to vector<16xf32>
        %mul3A_597 = arith.mulf %get3A_594, %mul3A_596 : vector<16xf32>
        %get3A_598 = arith.index_cast %add3A_577 : i32 to index
        %get3A_599 = arith.constant 48 : index
        %get3A_600 = tpu.vector_load %arg9[%get3A_598, %get3A_599] {strides = array<i32>} : memref<128x64xf32, #tpu.memory_space<vmem>>, vector<16xf32>,
        %mul3A_601 = arith.constant 8.000000e+00 : f32
        %mul3A_602 = vector.broadcast %mul3A_601 : f32 to vector<16xf32>
        %mul3A_603 = arith.mulf %get3A_600, %mul3A_602 : vector<16xf32>
        tpu.vector_store_idx %arg11[%select_n3A, %select_n3A_153, %add3A_580], %mul3A_585 : memref<8x8x129xf32, #tpu.memory_space<vmem>>[vector<16xi32>, vector<16xi32>, vector<16xi32>], vector<16xf32>,
        tpu.vector_store_idx %arg11[%select_n3A_71, %select_n3A_175, %add3A_580], %mul3A_591 : memref<8x8x129xf32, #tpu.memory_space<vmem>>[vector<16xi32>, vector<16xi32>, vector<16xi32>], vector<16xf32>,
        tpu.vector_store_idx %arg11[%select_n3A_102, %select_n3A_197, %add3A_580], %mul3A_597 : memref<8x8x129xf32, #tpu.memory_space<vmem>>[vector<16xi32>, vector<16xi32>, vector<16xi32>], vector<16xf32>,
        tpu.vector_store_idx %arg11[%select_n3A_133, %select_n3A_219, %add3A_580], %mul3A_603 : memref<8x8x129xf32, #tpu.memory_space<vmem>>[vector<16xi32>, vector<16xi32>, vector<16xi32>], vector<16xf32>,
        %mul3A_604 = arith.constant 4 : i32
        %mul3A_605 = arith.muli %scan3A_573, %mul3A_604 : i32
        %add3A_606 = arith.constant 1 : i32
        %add3A_607 = arith.addi %mul3A_605, %add3A_606 : i32
        %broadcast_in_dim3A_608 = arith.constant 0 : i32
        %broadcast_in_dim3A_609 = vector.broadcast %broadcast_in_dim3A_608 : i32 to vector<16xi32>
        %add3A_610 = vector.broadcast %add3A_607 : i32 to vector<16xi32>
        %add3A_611 = arith.addi %broadcast_in_dim3A_609, %add3A_610 : vector<16xi32>
        %get3A_612 = arith.index_cast %add3A_607 : i32 to index
        %get3A_613 = arith.constant 0 : index
        %get3A_614 = tpu.vector_load %arg9[%get3A_612, %get3A_613] {strides = array<i32>} : memref<128x64xf32, #tpu.memory_space<vmem>>, vector<16xf32>,
        %mul3A_615 = arith.constant 8.000000e+00 : f32
        %mul3A_616 = vector.broadcast %mul3A_615 : f32 to vector<16xf32>
        %mul3A_617 = arith.mulf %get3A_614, %mul3A_616 : vector<16xf32>
        %get3A_618 = arith.index_cast %add3A_607 : i32 to index
        %get3A_619 = arith.constant 16 : index
        %get3A_620 = tpu.vector_load %arg9[%get3A_618, %get3A_619] {strides = array<i32>} : memref<128x64xf32, #tpu.memory_space<vmem>>, vector<16xf32>,
        %mul3A_621 = arith.constant 8.000000e+00 : f32
        %mul3A_622 = vector.broadcast %mul3A_621 : f32 to vector<16xf32>
        %mul3A_623 = arith.mulf %get3A_620, %mul3A_622 : vector<16xf32>
        %get3A_624 = arith.index_cast %add3A_607 : i32 to index
        %get3A_625 = arith.constant 32 : index
        %get3A_626 = tpu.vector_load %arg9[%get3A_624, %get3A_625] {strides = array<i32>} : memref<128x64xf32, #tpu.memory_space<vmem>>, vector<16xf32>,
        %mul3A_627 = arith.constant 8.000000e+00 : f32
        %mul3A_628 = vector.broadcast %mul3A_627 : f32 to vector<16xf32>
        %mul3A_629 = arith.mulf %get3A_626, %mul3A_628 : vector<16xf32>
        %get3A_630 = arith.index_cast %add3A_607 : i32 to index
        %get3A_631 = arith.constant 48 : index
        %get3A_632 = tpu.vector_load %arg9[%get3A_630, %get3A_631] {strides = array<i32>} : memref<128x64xf32, #tpu.memory_space<vmem>>, vector<16xf32>,
        %mul3A_633 = arith.constant 8.000000e+00 : f32
        %mul3A_634 = vector.broadcast %mul3A_633 : f32 to vector<16xf32>
        %mul3A_635 = arith.mulf %get3A_632, %mul3A_634 : vector<16xf32>
        tpu.vector_store_idx %arg11[%select_n3A, %select_n3A_153, %add3A_611], %mul3A_617 : memref<8x8x129xf32, #tpu.memory_space<vmem>>[vector<16xi32>, vector<16xi32>, vector<16xi32>], vector<16xf32>,
        tpu.vector_store_idx %arg11[%select_n3A_71, %select_n3A_175, %add3A_611], %mul3A_623 : memref<8x8x129xf32, #tpu.memory_space<vmem>>[vector<16xi32>, vector<16xi32>, vector<16xi32>], vector<16xf32>,
        tpu.vector_store_idx %arg11[%select_n3A_102, %select_n3A_197, %add3A_611], %mul3A_629 : memref<8x8x129xf32, #tpu.memory_space<vmem>>[vector<16xi32>, vector<16xi32>, vector<16xi32>], vector<16xf32>,
        tpu.vector_store_idx %arg11[%select_n3A_133, %select_n3A_219, %add3A_611], %mul3A_635 : memref<8x8x129xf32, #tpu.memory_space<vmem>>[vector<16xi32>, vector<16xi32>, vector<16xi32>], vector<16xf32>,
        %mul3A_636 = arith.constant 4 : i32
        %mul3A_637 = arith.muli %scan3A_573, %mul3A_636 : i32
        %add3A_638 = arith.constant 2 : i32
        %add3A_639 = arith.addi %mul3A_637, %add3A_638 : i32
        %broadcast_in_dim3A_640 = arith.constant 0 : i32
        %broadcast_in_dim3A_641 = vector.broadcast %broadcast_in_dim3A_640 : i32 to vector<16xi32>
        %add3A_642 = vector.broadcast %add3A_639 : i32 to vector<16xi32>
        %add3A_643 = arith.addi %broadcast_in_dim3A_641, %add3A_642 : vector<16xi32>
        %get3A_644 = arith.index_cast %add3A_639 : i32 to index
        %get3A_645 = arith.constant 0 : index
        %get3A_646 = tpu.vector_load %arg9[%get3A_644, %get3A_645] {strides = array<i32>} : memref<128x64xf32, #tpu.memory_space<vmem>>, vector<16xf32>,
        %mul3A_647 = arith.constant 8.000000e+00 : f32
        %mul3A_648 = vector.broadcast %mul3A_647 : f32 to vector<16xf32>
        %mul3A_649 = arith.mulf %get3A_646, %mul3A_648 : vector<16xf32>
        %get3A_650 = arith.index_cast %add3A_639 : i32 to index
        %get3A_651 = arith.constant 16 : index
        %get3A_652 = tpu.vector_load %arg9[%get3A_650, %get3A_651] {strides = array<i32>} : memref<128x64xf32, #tpu.memory_space<vmem>>, vector<16xf32>,
        %mul3A_653 = arith.constant 8.000000e+00 : f32
        %mul3A_654 = vector.broadcast %mul3A_653 : f32 to vector<16xf32>
        %mul3A_655 = arith.mulf %get3A_652, %mul3A_654 : vector<16xf32>
        %get3A_656 = arith.index_cast %add3A_639 : i32 to index
        %get3A_657 = arith.constant 32 : index
        %get3A_658 = tpu.vector_load %arg9[%get3A_656, %get3A_657] {strides = array<i32>} : memref<128x64xf32, #tpu.memory_space<vmem>>, vector<16xf32>,
        %mul3A_659 = arith.constant 8.000000e+00 : f32
        %mul3A_660 = vector.broadcast %mul3A_659 : f32 to vector<16xf32>
        %mul3A_661 = arith.mulf %get3A_658, %mul3A_660 : vector<16xf32>
        %get3A_662 = arith.index_cast %add3A_639 : i32 to index
        %get3A_663 = arith.constant 48 : index
        %get3A_664 = tpu.vector_load %arg9[%get3A_662, %get3A_663] {strides = array<i32>} : memref<128x64xf32, #tpu.memory_space<vmem>>, vector<16xf32>,
        %mul3A_665 = arith.constant 8.000000e+00 : f32
        %mul3A_666 = vector.broadcast %mul3A_665 : f32 to vector<16xf32>
        %mul3A_667 = arith.mulf %get3A_664, %mul3A_666 : vector<16xf32>
        tpu.vector_store_idx %arg11[%select_n3A, %select_n3A_153, %add3A_643], %mul3A_649 : memref<8x8x129xf32, #tpu.memory_space<vmem>>[vector<16xi32>, vector<16xi32>, vector<16xi32>], vector<16xf32>,
        tpu.vector_store_idx %arg11[%select_n3A_71, %select_n3A_175, %add3A_643], %mul3A_655 : memref<8x8x129xf32, #tpu.memory_space<vmem>>[vector<16xi32>, vector<16xi32>, vector<16xi32>], vector<16xf32>,
        tpu.vector_store_idx %arg11[%select_n3A_102, %select_n3A_197, %add3A_643], %mul3A_661 : memref<8x8x129xf32, #tpu.memory_space<vmem>>[vector<16xi32>, vector<16xi32>, vector<16xi32>], vector<16xf32>,
        tpu.vector_store_idx %arg11[%select_n3A_133, %select_n3A_219, %add3A_643], %mul3A_667 : memref<8x8x129xf32, #tpu.memory_space<vmem>>[vector<16xi32>, vector<16xi32>, vector<16xi32>], vector<16xf32>,
        %mul3A_668 = arith.constant 4 : i32
        %mul3A_669 = arith.muli %scan3A_573, %mul3A_668 : i32
        %add3A_670 = arith.constant 3 : i32
        %add3A_671 = arith.addi %mul3A_669, %add3A_670 : i32
        %broadcast_in_dim3A_672 = arith.constant 0 : i32
        %broadcast_in_dim3A_673 = vector.broadcast %broadcast_in_dim3A_672 : i32 to vector<16xi32>
        %add3A_674 = vector.broadcast %add3A_671 : i32 to vector<16xi32>
        %add3A_675 = arith.addi %broadcast_in_dim3A_673, %add3A_674 : vector<16xi32>
        %get3A_676 = arith.index_cast %add3A_671 : i32 to index
        %get3A_677 = arith.constant 0 : index
        %get3A_678 = tpu.vector_load %arg9[%get3A_676, %get3A_677] {strides = array<i32>} : memref<128x64xf32, #tpu.memory_space<vmem>>, vector<16xf32>,
        %mul3A_679 = arith.constant 8.000000e+00 : f32
        %mul3A_680 = vector.broadcast %mul3A_679 : f32 to vector<16xf32>
        %mul3A_681 = arith.mulf %get3A_678, %mul3A_680 : vector<16xf32>
        %get3A_682 = arith.index_cast %add3A_671 : i32 to index
        %get3A_683 = arith.constant 16 : index
        %get3A_684 = tpu.vector_load %arg9[%get3A_682, %get3A_683] {strides = array<i32>} : memref<128x64xf32, #tpu.memory_space<vmem>>, vector<16xf32>,
        %mul3A_685 = arith.constant 8.000000e+00 : f32
        %mul3A_686 = vector.broadcast %mul3A_685 : f32 to vector<16xf32>
        %mul3A_687 = arith.mulf %get3A_684, %mul3A_686 : vector<16xf32>
        %get3A_688 = arith.index_cast %add3A_671 : i32 to index
        %get3A_689 = arith.constant 32 : index
        %get3A_690 = tpu.vector_load %arg9[%get3A_688, %get3A_689] {strides = array<i32>} : memref<128x64xf32, #tpu.memory_space<vmem>>, vector<16xf32>,
        %mul3A_691 = arith.constant 8.000000e+00 : f32
        %mul3A_692 = vector.broadcast %mul3A_691 : f32 to vector<16xf32>
        %mul3A_693 = arith.mulf %get3A_690, %mul3A_692 : vector<16xf32>
        %get3A_694 = arith.index_cast %add3A_671 : i32 to index
        %get3A_695 = arith.constant 48 : index
        %get3A_696 = tpu.vector_load %arg9[%get3A_694, %get3A_695] {strides = array<i32>} : memref<128x64xf32, #tpu.memory_space<vmem>>, vector<16xf32>,
        %mul3A_697 = arith.constant 8.000000e+00 : f32
        %mul3A_698 = vector.broadcast %mul3A_697 : f32 to vector<16xf32>
        %mul3A_699 = arith.mulf %get3A_696, %mul3A_698 : vector<16xf32>
        tpu.vector_store_idx %arg11[%select_n3A, %select_n3A_153, %add3A_675], %mul3A_681 : memref<8x8x129xf32, #tpu.memory_space<vmem>>[vector<16xi32>, vector<16xi32>, vector<16xi32>], vector<16xf32>,
        tpu.vector_store_idx %arg11[%select_n3A_71, %select_n3A_175, %add3A_675], %mul3A_687 : memref<8x8x129xf32, #tpu.memory_space<vmem>>[vector<16xi32>, vector<16xi32>, vector<16xi32>], vector<16xf32>,
        tpu.vector_store_idx %arg11[%select_n3A_102, %select_n3A_197, %add3A_675], %mul3A_693 : memref<8x8x129xf32, #tpu.memory_space<vmem>>[vector<16xi32>, vector<16xi32>, vector<16xi32>], vector<16xf32>,
        tpu.vector_store_idx %arg11[%select_n3A_133, %select_n3A_219, %add3A_675], %mul3A_699 : memref<8x8x129xf32, #tpu.memory_space<vmem>>[vector<16xi32>, vector<16xi32>, vector<16xi32>], vector<16xf32>,
      }
      %scan3A_535 = arith.constant 32 : i32
      %add3A_536 = arith.addi %mul3A_2, %mul3A_321 : i32
      %add3A_537 = arith.constant 3 : i32
      %add3A_538 = arith.addi %add3A_536, %add3A_537 : i32
      %div3A_539 = arith.constant 32 : i32
      %div3A_540 = arith.divsi %add3A_538, %div3A_539 : i32
      %rem3A_541 = arith.constant 32 : i32
      %rem3A_542 = arith.remsi %add3A_538, %rem3A_541 : i32
      %dma_start3A_543 = arith.constant 0 : i32
      %dma_start3A_544 = arith.constant 0 : i32
      %dma_start3A_545 = arith.constant 0 : i32
      %dma_start3A_546 = tpu.memref_slice %arg11[%dma_start3A_543, %dma_start3A_544, %dma_start3A_545] : memref<8x8x129xf32, #tpu.memory_space<vmem>> -> memref<8x8x128xf32, #tpu.memory_space<vmem>>
      %dma_start3A_547 = arith.constant 0 : i32
      %dma_start3A_548 = arith.constant 0 : i32
      %dma_start3A_549 = arith.constant 0 : i32
      %dma_start3A_550 = tpu.memref_slice %arg4[%div3A_540, %dma_start3A_547, %rem3A_542, %dma_start3A_548, %dma_start3A_549] : memref<200x8x32x8x128xf32, #tpu.memory_space<hbm>> -> memref<1x8x1x8x128xf32, #tpu.memory_space<hbm>>
      %dma_start3A_551 = tpu.memref_squeeze %dma_start3A_550 : memref<1x8x1x8x128xf32, #tpu.memory_space<hbm>> -> memref<8x8x128xf32, #tpu.memory_space<hbm>>
      %dma_start3A_552 = arith.constant 0 : i32
      %dma_start3A_553 = arith.constant 0 : i32
      %dma_start3A_554 = arith.constant 0 : i32
      %dma_start3A_555 = tpu.memref_slice %arg4[%div3A_540, %dma_start3A_552, %rem3A_542, %dma_start3A_553, %dma_start3A_554] : memref<200x8x32x8x128xf32, #tpu.memory_space<hbm>> -> memref<1x8x1x8x128xf32, #tpu.memory_space<hbm>>
      %dma_start3A_556 = tpu.memref_squeeze %dma_start3A_555 : memref<1x8x1x8x128xf32, #tpu.memory_space<hbm>> -> memref<8x8x128xf32, #tpu.memory_space<hbm>>
      %dma_start3A_557 = arith.constant 0 : i32
      %dma_start3A_558 = arith.constant 0 : i32
      %dma_start3A_559 = arith.constant 0 : i32
      %dma_start3A_560 = tpu.memref_slice %arg11[%dma_start3A_557, %dma_start3A_558, %dma_start3A_559] : memref<8x8x129xf32, #tpu.memory_space<vmem>> -> memref<8x8x128xf32, #tpu.memory_space<vmem>>
      tpu.enqueue_dma source(%dma_start3A_560 : memref<8x8x128xf32, #tpu.memory_space<vmem>>) target(%dma_start3A_556 : memref<8x8x128xf32, #tpu.memory_space<hbm>>) target_semaphore(%arg17 : memref<!tpu.dma_semaphore, #tpu.memory_space<semaphore_mem>>)
      %add3A_561 = arith.constant 3 : i32
      %add3A_562 = arith.addi %mul3A_321, %add3A_561 : i32
      %add3A_563 = arith.constant 4 : i32
      %add3A_564 = arith.addi %add3A_562, %add3A_563 : i32
      %rem3A_565 = arith.constant 200 : i32
      %rem3A_566 = arith.remsi %add3A_564, %rem3A_565 : i32
      %dma_start3A_567 = arith.constant 0 : i32
      %dma_start3A_568 = tpu.memref_slice %arg5[%rem3A_566, %dma_start3A_567] : memref<200x128xi32, #tpu.memory_space<vmem>> -> memref<1x128xi32, #tpu.memory_space<vmem>>
      %dma_start3A_569 = tpu.memref_squeeze %dma_start3A_568 : memref<1x128xi32, #tpu.memory_space<vmem>> -> memref<128xi32, #tpu.memory_space<vmem>>
      %dma_start3A_570 = arith.constant 0 : i32
      %dma_start3A_571 = arith.constant 0 : i32
      %dma_start3A_572 = tpu.memref_slice %arg2[%dma_start3A_570, %dma_start3A_571] : memref<2000000x64xf32, #tpu.memory_space<hbm>> -> memref<2000000x64xf32, #tpu.memory_space<hbm>>
      tpu.enqueue_indirect_dma source(%dma_start3A_572 : memref<2000000x64xf32, #tpu.memory_space<hbm>>) target(%arg9 : memref<128x64xf32, #tpu.memory_space<vmem>>) offsets(%dma_start3A_569 : memref<128xi32, #tpu.memory_space<vmem>>) semaphore(%arg15 : memref<!tpu.dma_semaphore, #tpu.memory_space<semaphore_mem>>)
    }
    %scan3A_251 = arith.constant 50 : i32
    %dma_wait3A = arith.constant 0 : i32
    %dma_wait3A_252 = arith.constant 0 : i32
    %dma_wait3A_253 = tpu.memref_slice %arg5[%dma_wait3A, %dma_wait3A_252] : memref<200x128xi32, #tpu.memory_space<vmem>> -> memref<1x128xi32, #tpu.memory_space<vmem>>
    %dma_wait3A_254 = tpu.memref_squeeze %dma_wait3A_253 : memref<1x128xi32, #tpu.memory_space<vmem>> -> memref<128xi32, #tpu.memory_space<vmem>>
    %dma_wait3A_255 = arith.constant 0 : i32
    %dma_wait3A_256 = arith.constant 0 : i32
    %dma_wait3A_257 = tpu.memref_slice %arg2[%dma_wait3A_255, %dma_wait3A_256] : memref<2000000x64xf32, #tpu.memory_space<hbm>> -> memref<2000000x64xf32, #tpu.memory_space<hbm>>
    tpu.wait_indirect_dma semaphore(%arg12 : memref<!tpu.dma_semaphore, #tpu.memory_space<semaphore_mem>>) src(%dma_wait3A_257 : memref<2000000x64xf32, #tpu.memory_space<hbm>>) dst(%arg6 : memref<128x64xf32, #tpu.memory_space<vmem>>)
    %dma_wait3A_258 = arith.constant 1 : i32
    %dma_wait3A_259 = arith.constant 0 : i32
    %dma_wait3A_260 = tpu.memref_slice %arg5[%dma_wait3A_258, %dma_wait3A_259] : memref<200x128xi32, #tpu.memory_space<vmem>> -> memref<1x128xi32, #tpu.memory_space<vmem>>
    %dma_wait3A_261 = tpu.memref_squeeze %dma_wait3A_260 : memref<1x128xi32, #tpu.memory_space<vmem>> -> memref<128xi32, #tpu.memory_space<vmem>>
    %dma_wait3A_262 = arith.constant 0 : i32
    %dma_wait3A_263 = arith.constant 0 : i32
    %dma_wait3A_264 = tpu.memref_slice %arg2[%dma_wait3A_262, %dma_wait3A_263] : memref<2000000x64xf32, #tpu.memory_space<hbm>> -> memref<2000000x64xf32, #tpu.memory_space<hbm>>
    tpu.wait_indirect_dma semaphore(%arg13 : memref<!tpu.dma_semaphore, #tpu.memory_space<semaphore_mem>>) src(%dma_wait3A_264 : memref<2000000x64xf32, #tpu.memory_space<hbm>>) dst(%arg7 : memref<128x64xf32, #tpu.memory_space<vmem>>)
    %dma_wait3A_265 = arith.constant 2 : i32
    %dma_wait3A_266 = arith.constant 0 : i32
    %dma_wait3A_267 = tpu.memref_slice %arg5[%dma_wait3A_265, %dma_wait3A_266] : memref<200x128xi32, #tpu.memory_space<vmem>> -> memref<1x128xi32, #tpu.memory_space<vmem>>
    %dma_wait3A_268 = tpu.memref_squeeze %dma_wait3A_267 : memref<1x128xi32, #tpu.memory_space<vmem>> -> memref<128xi32, #tpu.memory_space<vmem>>
    %dma_wait3A_269 = arith.constant 0 : i32
    %dma_wait3A_270 = arith.constant 0 : i32
    %dma_wait3A_271 = tpu.memref_slice %arg2[%dma_wait3A_269, %dma_wait3A_270] : memref<2000000x64xf32, #tpu.memory_space<hbm>> -> memref<2000000x64xf32, #tpu.memory_space<hbm>>
    tpu.wait_indirect_dma semaphore(%arg14 : memref<!tpu.dma_semaphore, #tpu.memory_space<semaphore_mem>>) src(%dma_wait3A_271 : memref<2000000x64xf32, #tpu.memory_space<hbm>>) dst(%arg8 : memref<128x64xf32, #tpu.memory_space<vmem>>)
    %dma_wait3A_272 = arith.constant 3 : i32
    %dma_wait3A_273 = arith.constant 0 : i32
    %dma_wait3A_274 = tpu.memref_slice %arg5[%dma_wait3A_272, %dma_wait3A_273] : memref<200x128xi32, #tpu.memory_space<vmem>> -> memref<1x128xi32, #tpu.memory_space<vmem>>
    %dma_wait3A_275 = tpu.memref_squeeze %dma_wait3A_274 : memref<1x128xi32, #tpu.memory_space<vmem>> -> memref<128xi32, #tpu.memory_space<vmem>>
    %dma_wait3A_276 = arith.constant 0 : i32
    %dma_wait3A_277 = arith.constant 0 : i32
    %dma_wait3A_278 = tpu.memref_slice %arg2[%dma_wait3A_276, %dma_wait3A_277] : memref<2000000x64xf32, #tpu.memory_space<hbm>> -> memref<2000000x64xf32, #tpu.memory_space<hbm>>
    tpu.wait_indirect_dma semaphore(%arg15 : memref<!tpu.dma_semaphore, #tpu.memory_space<semaphore_mem>>) src(%dma_wait3A_278 : memref<2000000x64xf32, #tpu.memory_space<hbm>>) dst(%arg9 : memref<128x64xf32, #tpu.memory_space<vmem>>)
    %dma_wait3A_279 = arith.constant 0 : i32
    %dma_wait3A_280 = arith.constant 0 : i32
    %dma_wait3A_281 = arith.constant 0 : i32
    %dma_wait3A_282 = arith.constant 0 : i32
    %dma_wait3A_283 = arith.constant 0 : i32
    %dma_wait3A_284 = tpu.memref_slice %arg10[%dma_wait3A_281, %dma_wait3A_282, %dma_wait3A_283] : memref<8x8x129xf32, #tpu.memory_space<vmem>> -> memref<8x8x128xf32, #tpu.memory_space<vmem>>
    %dma_wait3A_285 = arith.constant 0 : i32
    %dma_wait3A_286 = arith.constant 0 : i32
    %dma_wait3A_287 = arith.constant 0 : i32
    %dma_wait3A_288 = tpu.memref_slice %arg4[%dma_wait3A_279, %dma_wait3A_285, %dma_wait3A_280, %dma_wait3A_286, %dma_wait3A_287] : memref<200x8x32x8x128xf32, #tpu.memory_space<hbm>> -> memref<1x8x1x8x128xf32, #tpu.memory_space<hbm>>
    %dma_wait3A_289 = tpu.memref_squeeze %dma_wait3A_288 : memref<1x8x1x8x128xf32, #tpu.memory_space<hbm>> -> memref<8x8x128xf32, #tpu.memory_space<hbm>>
    %dma_wait3A_290 = arith.constant 0 : i32
    %dma_wait3A_291 = arith.constant 0 : i32
    %dma_wait3A_292 = arith.constant 0 : i32
    %dma_wait3A_293 = tpu.memref_slice %arg4[%dma_wait3A_279, %dma_wait3A_290, %dma_wait3A_280, %dma_wait3A_291, %dma_wait3A_292] : memref<200x8x32x8x128xf32, #tpu.memory_space<hbm>> -> memref<1x8x1x8x128xf32, #tpu.memory_space<hbm>>
    %dma_wait3A_294 = tpu.memref_squeeze %dma_wait3A_293 : memref<1x8x1x8x128xf32, #tpu.memory_space<hbm>> -> memref<8x8x128xf32, #tpu.memory_space<hbm>>
    %dma_wait3A_295 = arith.constant 0 : i32
    %dma_wait3A_296 = arith.constant 0 : i32
    %dma_wait3A_297 = arith.constant 0 : i32
    %dma_wait3A_298 = tpu.memref_slice %arg10[%dma_wait3A_295, %dma_wait3A_296, %dma_wait3A_297] : memref<8x8x129xf32, #tpu.memory_space<vmem>> -> memref<8x8x128xf32, #tpu.memory_space<vmem>>
    tpu.wait_dma2 semaphore(%arg16 : memref<!tpu.dma_semaphore, #tpu.memory_space<semaphore_mem>>) src(%dma_wait3A_298 : memref<8x8x128xf32, #tpu.memory_space<vmem>>) dst(%dma_wait3A_294 : memref<8x8x128xf32, #tpu.memory_space<hbm>>)
    %dma_wait3A_299 = arith.constant 0 : i32
    %dma_wait3A_300 = arith.constant 0 : i32
    %dma_wait3A_301 = arith.constant 0 : i32
    %dma_wait3A_302 = arith.constant 0 : i32
    %dma_wait3A_303 = arith.constant 0 : i32
    %dma_wait3A_304 = tpu.memref_slice %arg11[%dma_wait3A_301, %dma_wait3A_302, %dma_wait3A_303] : memref<8x8x129xf32, #tpu.memory_space<vmem>> -> memref<8x8x128xf32, #tpu.memory_space<vmem>>
    %dma_wait3A_305 = arith.constant 0 : i32
    %dma_wait3A_306 = arith.constant 0 : i32
    %dma_wait3A_307 = arith.constant 0 : i32
    %dma_wait3A_308 = tpu.memref_slice %arg4[%dma_wait3A_299, %dma_wait3A_305, %dma_wait3A_300, %dma_wait3A_306, %dma_wait3A_307] : memref<200x8x32x8x128xf32, #tpu.memory_space<hbm>> -> memref<1x8x1x8x128xf32, #tpu.memory_space<hbm>>
    %dma_wait3A_309 = tpu.memref_squeeze %dma_wait3A_308 : memref<1x8x1x8x128xf32, #tpu.memory_space<hbm>> -> memref<8x8x128xf32, #tpu.memory_space<hbm>>
    %dma_wait3A_310 = arith.constant 0 : i32
    %dma_wait3A_311 = arith.constant 0 : i32
    %dma_wait3A_312 = arith.constant 0 : i32
    %dma_wait3A_313 = tpu.memref_slice %arg4[%dma_wait3A_299, %dma_wait3A_310, %dma_wait3A_300, %dma_wait3A_311, %dma_wait3A_312] : memref<200x8x32x8x128xf32, #tpu.memory_space<hbm>> -> memref<1x8x1x8x128xf32, #tpu.memory_space<hbm>>
    %dma_wait3A_314 = tpu.memref_squeeze %dma_wait3A_313 : memref<1x8x1x8x128xf32, #tpu.memory_space<hbm>> -> memref<8x8x128xf32, #tpu.memory_space<hbm>>
    %dma_wait3A_315 = arith.constant 0 : i32
    %dma_wait3A_316 = arith.constant 0 : i32
    %dma_wait3A_317 = arith.constant 0 : i32
    %dma_wait3A_318 = tpu.memref_slice %arg11[%dma_wait3A_315, %dma_wait3A_316, %dma_wait3A_317] : memref<8x8x129xf32, #tpu.memory_space<vmem>> -> memref<8x8x128xf32, #tpu.memory_space<vmem>>
    tpu.wait_dma2 semaphore(%arg17 : memref<!tpu.dma_semaphore, #tpu.memory_space<semaphore_mem>>) src(%dma_wait3A_318 : memref<8x8x128xf32, #tpu.memory_space<vmem>>) dst(%dma_wait3A_314 : memref<8x8x128xf32, #tpu.memory_space<hbm>>)
    return
  }
}

</mosaic_0001>

<sc_bundles>
// kernel: kernel.3.cloned.1.call-start
scs
__scs_entry_jumppad:
0x0: {  	(pc) =	sbr.rel $0x88, $3  }
0x1: {  	(tag) =	ssettag $0x0;
	lr =	simm.s32 $0x1  }
0x2: {  	[smem:$0x3F9F] =	sst lr;
	_ =	strace $0xD0000000  }
0x3: {  	_ = 	snop  }
0x4: {  	_ = 	snop  }
0x5: {  	_ = 	snop  }
0x6: {  	_ = 	snop  }
0x7: {  	_ = 	snop  }
__scs_overlays_trampoline_lowered:
0x8: {  	[smem:$0x3FAE] =	sst s0  }
0x9: {  	[smem:$0x3FAF] =	sst s1  }
0xa: {  	[smem:$0x3FB0] =	sst s2  }
0xb: {  	[smem:$0x3FB1] =	sst s3  }
0xc: {  	[smem:$0x3FB2] =	sst s4  }
0xd: {  	[smem:$0x3FB3] =	sst s5  }
0xe: {  	[smem:$0x3FB4] =	sst s6  }
0xf: {  	[smem:$0x3FB5] =	sst s7  }
0x10: {  	[smem:$0x3FB6] =	sst s8  }
0x11: {  	[smem:$0x3FB7] =	sst s9;
	s0 =	simm.s32 @!p0 $0x0  }
0x12: {  	s1 =	sld [smem:$0x3F9D];
	s0 =	simm.s32 @p0 $0x1  }
0x13: {  	[smem:$0x3FB8] =	sst s0;
	s0 =	simm.s32 @!p1 $0x0  }
0x14: {  	s2 =	sld [smem:$0x3F9C];
	s0 =	simm.s32 @p1 $0x1  }
0x15: {  	[smem:$0x3FB9] =	sst s0;
	s0 =	simm.s32 @!p2 $0x0  }
0x16: {  	s3 =	sld [smem:$0x3FDB];
	s0 =	simm.s32 @p2 $0x1  }
0x17: {  	s4 =	simm.s32 $0x1BF5;
	[smem:$0x3FBB] =	sst s0  }
0x18: {  	s0 =	sld [smem:$0x3F9E];
	_ =	swait.ge [sflag:s4], $0x0  }
0x19: {  	s7 =	sld [smem:$0x3F9F]  }
0x1a: {  	s8 =	sadd.s32 $0xFFFFE003, lr  }
0x1b: {  	s9 =	sadd.s32 $0xFFFFFEF7, lr;
	s5 =	simm.s32 $0xFFFFFFFF;
	p2 =	slt.u32 s8, $0xFFFFF086  }
0x1c: {  	p1 =	slt.u32 s9, $0xF7A;
	s5 =	simm.s32 @!p2 $0x0  }
0x1d: {  	s5 =	simm.s32 @p1 $0x1;
	p0 =	seq.s32 s7, s2  }
0x1e: {  	s7 =	smul.u32 @!p0 $0xF7A, s2;
	p2 =	seq.s32 @!p0 s5, $0x0  }
0x1f: {  	s9 =	smul.u32 $0xF7A, s1;
	s8 =	simm.s32 @!p0 $0x1BF5;
	p2 =	por !p2, p0  }
0x20: {  	[sflag:s8] =	ssyncset.s32 @!p0 $0xFFFFF086;
	s6 =	sadd.s32 @!p0 s3, s7;
	s7 =	simm.s32 @!p0 $0x108  }
0x21: {  	s3 =	sadd.s32 s3, s9;
	s6 =	sadd.s32 @!p0 $0x88, s6;
	s7 =	simm.s32 @p2 $0x1082  }
0x22: {  	[simem:s7], [sflag:s8] =	dma.local @!p0 [hbm:s6], $0xF7A  }
0x23: {  	s9 =	sor.u32 $0xD0000000, s2;
	s6 =	simm.s32 $0x108;
	_ =	swait.ge @!p0 [sflag:s8], $0x0  }
0x24: {  	s3 =	sadd.s32 $0x88, s3;
	s6 =	simm.s32 @!p1 $0x1082;
	[sflag:s4] =	ssyncset.s32 $0xFFFFF086  }
0x25: {  	[simem:s6], [sflag:s4] =	dma.local [hbm:s3], $0xF7A  }
0x26: {  	[smem:$0x3F9F] =	sst s1;
	(tag) =	ssettag s2;
	_ =	strace s9  }
0x27: {  	s1 =	sld [smem:$0x3FAF]  }
0x28: {  	s2 =	sld [smem:$0x3FB0]  }
0x29: {  	s4 =	sld [smem:$0x3FB2]  }
0x2a: {  	p0 =	seq.s32 s5, $0x0;
	s5 =	sld [smem:$0x3FB3]  }
0x2b: {  	s6 =	sld [smem:$0x3FB4]  }
0x2c: {  	s7 =	sld [smem:$0x3FB5]  }
0x2d: {  	s3 =	simm.s32 $0x108;
	s8 =	sld [smem:$0x3FB6]  }
0x2e: {  	s3 =	simm.s32 @!p0 $0x1082;
	s9 =	sld [smem:$0x3FB7]  }
0x2f: {  	lr =	sadd.s32 s0, s3;
	s0 =	sld [smem:$0x3FAE]  }
0x30: {  	s3 =	sld [smem:$0x3FB1]  }
0x31: {  	[smem:$0x3FBA] =	sst s10  }
0x32: {  	s10 =	sld [smem:$0x3FB8];
	_ =	sdelay $0x3  }
0x33: {  	p0 =	seq.s32 s10, $0x1;
	s10 =	sld [smem:$0x3FBA];
	_ =	sdelay $0x3  }
0x34: {  	[smem:$0x3FBA] =	sst s10  }
0x35: {  	s10 =	sld [smem:$0x3FB9];
	_ =	sdelay $0x3  }
0x36: {  	p1 =	seq.s32 s10, $0x1;
	s10 =	sld [smem:$0x3FBA];
	_ =	sdelay $0x3  }
0x37: {  	[smem:$0x3FBA] =	sst s10  }
0x38: {  	s10 =	sld [smem:$0x3FBB]  }
0x39: {  	_ = 	snop;
	(pc) =	sbr.ind lr, $3  }
0x3a: {  	_ = 	snop  }
0x3b: {  	_ = 	snop  }
0x3c: {  	p2 =	seq.s32 s10, $0x1;
	s10 =	sld [smem:$0x3FBA]  }
0x3d: {  	_ =	shalt  }
0x3e: {  	_ =	shalt  }
0x3f: {  	_ =	shalt  }
0x40: {  	_ =	shalt  }
0x41: {  	_ =	shalt  }
0x42: {  	_ =	shalt  }
0x43: {  	_ =	shalt  }
0x44: {  	_ =	shalt  }
0x45: {  	_ =	shalt  }
0x46: {  	_ =	shalt  }
0x47: {  	_ =	shalt  }
0x48: {  	_ =	shalt  }
0x49: {  	_ =	shalt  }
0x4a: {  	_ =	shalt  }
0x4b: {  	_ =	shalt  }
0x4c: {  	_ =	shalt  }
0x4d: {  	_ =	shalt  }
0x4e: {  	_ =	shalt  }
0x4f: {  	_ =	shalt  }
0x50: {  	_ =	shalt  }
0x51: {  	_ =	shalt  }
0x52: {  	_ =	shalt  }
0x53: {  	_ =	shalt  }
0x54: {  	_ =	shalt  }
0x55: {  	_ =	shalt  }
0x56: {  	_ =	shalt  }
0x57: {  	_ =	shalt  }
0x58: {  	_ =	shalt  }
0x59: {  	_ =	shalt  }
0x5a: {  	_ =	shalt  }
0x5b: {  	_ =	shalt  }
0x5c: {  	_ =	shalt  }
0x5d: {  	_ =	shalt  }
0x5e: {  	_ =	shalt  }
0x5f: {  	_ =	shalt  }
0x60: {  	_ =	shalt  }
0x61: {  	_ =	shalt  }
0x62: {  	_ =	shalt  }
0x63: {  	_ =	shalt  }
0x64: {  	_ =	shalt  }
0x65: {  	_ =	shalt  }
0x66: {  	_ =	shalt  }
0x67: {  	_ =	shalt  }
0x68: {  	_ =	shalt  }
0x69: {  	_ =	shalt  }
0x6a: {  	_ =	shalt  }
0x6b: {  	_ =	shalt  }
0x6c: {  	_ =	shalt  }
0x6d: {  	_ =	shalt  }
0x6e: {  	_ =	shalt  }
0x6f: {  	_ =	shalt  }
0x70: {  	_ =	shalt  }
0x71: {  	_ =	shalt  }
0x72: {  	_ =	shalt  }
0x73: {  	_ =	shalt  }
0x74: {  	_ =	shalt  }
0x75: {  	_ =	shalt  }
0x76: {  	_ =	shalt  }
0x77: {  	_ =	shalt  }
0x78: {  	_ =	shalt  }
0x79: {  	_ =	shalt  }
0x7a: {  	_ =	shalt  }
0x7b: {  	_ =	shalt  }
0x7c: {  	_ =	shalt  }
0x7d: {  	_ =	shalt  }
0x7e: {  	_ =	shalt  }
0x7f: {  	_ =	shalt  }
0x80: {  	_ =	shalt  }
0x81: {  	_ =	shalt  }
0x82: {  	_ =	shalt  }
0x83: {  	_ =	shalt  }
0x84: {  	_ =	shalt  }
0x85: {  	_ =	shalt  }
0x86: {  	_ =	shalt  }
0x87: {  	_ =	shalt  }
.Lfunc_end0:
.L_simem_size_0:
called_computation.1_lowered:
.L_overlay_start_0:
0x88: {  	s2 =	sld [smem:$0x3FD9]  }
0x89: {  	s3 =	sld [smem:$0x3FFE];
	_ =	sdelay $0x1  }
0x8a: {  	s1 =	srdreg.scid  }
0x8b: {  	s0 =	sand.u32 $0x1, s1  }
0x8c: {  	s17 =	sshll.u32 s0, $0xA;
	s2 =	sadd.s32 s3, s2  }
0x8d: {  	s2 =	sadd.s32 s2, s17  }
0x8e: {  	[smem:$0x3FC6] =	sst s2  }
0x8f: {  	_ = 	snop  }
0x90: {  	s2 =	sld [smem:$0x3FD0];
	(tm) =	ssettm $0x1  }
0x91: {  	s18 =	sld [smem:$0x3FFB];
	_ =	sdelay $0x3  }
0x92: {  	_ =	strace s18  }
0x93: {  	s3 =	sld [smem:$0x3FFC];
	_ =	sdelay $0x3  }
0x94: {  	_ =	strace s3  }
0x95: {  	s3 =	sld [smem:$0x3FFD];
	_ =	sdelay $0x3  }
0x96: {  	_ =	strace s3  }
0x97: {  	_ =	strace $0x8FFFFFFF  }
0x98: {  	s19 =	sld [smem:$0x3FDB];
	_ =	sdelay $0x1  }
0x99: {  	s4 =	simm.s32 $_scs_section_size  }
0x9a: {  	s5 =	simm.s32 $_size__tile_overlayer_lowered;
	s6 =	simm.s32 $_tile_overlayer_lowered  }
0x9b: {  	s22 =	simm.s32 $0x1BFF;
	s21 =	sshll.u32 s6, $0x1;
	s3 =	sadd.s32 s4, s19  }
0x9c: {  	s7 =	simm.s32 $0x0;
	s20 =	sshll.u32 s5, $0x1;
	s5 =	sadd.s32 s21, s3  }
0x9d: {  	[timem:s7], [sflag:s22] =	dma.local [hbm:s5], s20  }
0x9e: {  	_ =	swait.ge [sflag:s22], s20  }
0x9f: {  	s4 =	ssub.s32 $0x0, s20;
	[sflag:s22] =	ssyncset.done $0x0  }
0xa0: {  	[sflag:s22] =	ssyncadd.s32 s4;
	_ =	sdelay $0x1  }
0xa1: {  	s23 =	simm.s32 $0x1B8B  }
0xa2: {  	_ =	swait.ge [sflag:s23], $0x1  }
0xa3: {  	[sflag:s23] =	ssyncset.done $0x0  }
0xa4: {  	s25 =	simm.s32 $0x1B8E;
	s24 =	sld [smem:$0x3FFE];
	[sflag:s23] =	ssyncadd.s32 $0xFFFFFFFF  }
0xa5: {  	s26 =	simm.s32 $execute0_lowered;
	[smem:$0x3FD2] =	sst s25  }
0xa6: {  	s5 =	sshll.u32 s26, $0x1;
	_ =	strace $0x80000049;
	[dreg:$0x1] =	wrdreg $0xFFFFFFFF  }
0xa7: {  	s28 =	simm.s32 $_size_execute0_lowered;
	s3 =	sadd.s32 s3, s5;
	[dreg:$0x0] =	wrdreg $0x0  }
0xa8: {  	s5 =	sshll.u32 s28, $0x1;
	[dreg:$0x2] =	wrdreg s3  }
0xa9: {  	[dreg:$0x3] =	wrdreg s5  }
0xaa: {  	[dreg:$0x4] =	wrdreg $0xC0  }
0xab: {  	_ =	task [dreg:s7], $0x5FFFF  }
0xac: {  	[dreg:$0x1] =	wrdreg $0xFFFFFFFF  }
0xad: {  	[dreg:$0x0] =	wrdreg $0x60  }
0xae: {  	[dreg:$0x2] =	wrdreg s24  }
0xaf: {  	[dreg:$0x3] =	wrdreg s2  }
0xb0: {  	[dreg:$0x4] =	wrdreg $0x9  }
0xb1: {  	_ =	task.clear_ibuf [dreg:s7], $0x5FFFF;
	_ =	strace $0x90000049  }
0xb2: {  	s29 =	simm.s32 $0x9;
	_ =	strace $0x8000004B  }
0xb3: {  	_ =	swait.ge [sflag:s29], $0x1  }
0xb4: {  	[sflag:s29] =	ssyncadd.s32 $0xFFFFFFFF  }
0xb5: {  	_ =	strace $0x9000004B  }
0xb6: {  	_ =	sfence  }
0xb7: {  	s30 =	sld [smem:$0x0];
	_ =	sdelay $0x2  }
0xb8: {  	s31 =	sshll.u32 s1, $0xD;
	s1 =	sshrl.u32 s1, $0x2  }
0xb9: {  	s3 =	sand.u32 $0x4000, s31;
	s1 =	sadd.s32 s1, s30  }
0xba: {  	s0 =	sor.u32 s3, s0;
	s1 =	sshll.u32 s1, $0x11  }
0xbb: {  	s0 =	sor.u32 s1, s0  }
0xbc: {  	s0 =	sadd.s32 $0x8F2B, s0  }
0xbd: {  	[sflag:s0] =	ssyncadd.remote.s32 $0x1  }
0xbe: {  	_ =	sfence.sel $0xFFFF  }
0xbf: {  	[dreg:$0x0] =	wrdreg $0xFFFFFFFF;
	(pc) =	sbr.abs _section_cstart, $3  }
0xc0: {  	[dreg:$0x1] =	wrdreg $0xFFFFFFFF  }
0xc1: {  	_ =	task.clear_ibuf [dreg:s7], $0x2FFFF;
	_ =	strace $0x9FFFFFFF  }
0xc2: {  	(tm) =	ssettm $0x7FFFFFFF  }
0xc3: {  	_ =	shalt  }
tec
execute0_lowered:
.L_overlay_start_1:
0x0: {  	(tag) =	ssettag $0x1  }
0x1: {  	s0 =	rddreg [dreg:$0x0];
	s1 =	srdreg.scid  }
0x2: {  	s3 =	stileid.u32;
	s2 =	rddreg [dreg:$0x1]  }
0x3: {  	s8 =	simm.s32 $0x7;
	s9 =	simm.s32 $0x80;
	s10 =	simm.s32 $0x6400  }
0x4: {  	s11 =	simm.s32 $0x8400;
	s13 =	simm.s32 $0xA400;
	s15 =	simm.s32 $0xC400  }
0x5: {  	s16 =	simm.s32 $0x1;
	s17 =	simm.s32 $0xE400;
	s18 =	simm.s32 $0x2  }
0x6: {  	s19 =	simm.s32 $0x10600;
	s20 =	simm.s32 $0x3;
	s21 =	simm.s32 $0x5  }
0x7: {  	s22 =	simm.s32 $0x4;
	s1 =	sand.u32 $0x1, s1;
	s4 =	sshll.u32 s3, $0x1  }
0x8: {  	s23 =	simm.s32 $0x6;
	s24 =	simm.s32 $0x0;
	s5 =	sor.u32 s1, s4  }
0x9: {  	v0 =	vlaneseq.u32;
	s3 =	simm.s32 $0x0;
	s1 =	ssub.s32 $0x2, s1;
	s6 =	smul.u32 $0xC80, s5  }
0xa: {  	v0 =	vmul.u32 $0x88, v0;
	[smem:$0x7FF] =	sst s3;
	s4 =	sadd.s32 $0xF5BE00, s0;
	s31 =	sshrl.u32 s1, $0x1  }
0xb: {  	_ =	strace $0x8000004A;
	s1 =	ssub.s32 s1, s31;
	s0 =	sadd.s32 s6, s0  }
0xc: {  	s5 =	smul.u32 $0xC8, s5;
	v1 =	vadd.s32 $0x880, v0;
	v2 =	vadd.s32 $0x1100, v0;
	v3 =	vadd.s32 $0x1980, v0;
	s7 =	smax.u32 s1, $0x1;
	s6 =	sadd.s32 $0xF42E00, s0  }
.LBB2_1:
0xd: {  	[tilespmem:s3], [sflag:$0x7] =	stream.linear.gather [hbm4b:s6+s3], $0x6400, $0x38;
	[tilespmem:$0x12800] =	vst v63  }
0xe: {  	_ =	swait.ge [sflag:s8], $0x6400  }
0xf: {  	[sflag:s8] =	ssyncset.done $0x0  }
0x10: {  	[sflag:s8] =	ssyncadd.s32 $0xFFFF9C00  }
0x11: {  	[tilespmem:s10], [sflag:$0x1] =	stream.indirect.gather [hbm4b:s4+s9], $0x40, s3, s9, $0xb8;
	[tilespmem:$0x12800] =	vst v63  }
0x12: {  	_ = 	snop  }
0x13: {  	[tilespmem:s11], [sflag:$0x2] =	stream.indirect.gather [hbm4b:s4+s9], $0x40, s9, s9, $0xb8;
	[tilespmem:$0x12800] =	vst v63  }
0x14: {  	s0 =	simm.s32 $0x100  }
0x15: {  	[tilespmem:s13], [sflag:$0x3] =	stream.indirect.gather [hbm4b:s4+s9], $0x40, s0, s9, $0xb8;
	[tilespmem:$0x12800] =	vst v63  }
0x16: {  	s31 =	simm.s32 $0x180;
	s25 =	simm.s32 $0x0  }
0x17: {  	[tilespmem:s15], [sflag:$0x4] =	stream.indirect.gather [hbm4b:s4+s9], $0x40, s31, s9, $0xb8;
	[tilespmem:$0x12800] =	vst v63  }
.LBB2_2:
0x18: {  	_ =	swait.ge [sflag:s16], $0x2000  }
0x19: {  	p0 =	seq.s32 s25, $0x0;
	[sflag:s16] =	ssyncset.done $0x0  }
0x1a: {  	s0 =	simm.s32 @!p0 $0x5;
	[sflag:s16] =	ssyncadd.s32 $0xFFFFE000  }
0x1b: {  	_ =	swait.ge @!p0 [sflag:s0], $0x2000  }
0x1c: {  	[sflag:s0] =	ssyncset.done @!p0 $0x0  }
0x1d: {  	s14 =	simm.s32 $0x0;
	s28 =	simm.s32 $0x6480;
	[sflag:s0] =	ssyncadd.s32 @!p0 $0xFFFFE000  }
0x1e: {  	v4 =	vmov s14;
	v5 =	vld [tilespmem:s28+$0xFFFFFF80]  }
0x1f: {  	v4 =	vand.u32 $0x7C, v4;
	v6 =	vld [tilespmem:s28+$0xFFFFFF90]  }
0x20: {  	v8 =	vadd.s32 v0, v4;
	v7 =	vld [tilespmem:s28+$0xFFFFFFA0]  }
0x21: {  	v10 =	vadd.s32 v1, v4;
	v9 =	vld [tilespmem:s28+$0xFFFFFFB0]  }
0x22: {  	v11 =	vadd.s32 v2, v4  }
0x23: {  	v4 =	vadd.s32 v3, v4;
	v5 =	vmul.f32 $8.000000000e+00, v5  }
0x24: {  	v6 =	vmul.f32 $8.000000000e+00, v6  }
0x25: {  	v7 =	vmul.f32 $8.000000000e+00, v7;
	[tilespmem:v8+s17+$0x0] =	vst.idx.msk $0xffff, v5  }
0x26: {  	v5 =	vmul.f32 $8.000000000e+00, v9;
	[tilespmem:v10+s17+$0x0] =	vst.idx.msk $0xffff, v6  }
0x27: {  	[tilespmem:v11+s17+$0x0] =	vst.idx.msk $0xffff, v7  }
0x28: {  	s26 =	simm.s32 $0x1;
	[tilespmem:v4+s17+$0x0] =	vst.idx.msk $0xffff, v5  }
0x29: {  	v4 =	vmov s26;
	v5 =	vld [tilespmem:s28+$0xFFFFFFC0]  }
0x2a: {  	v6 =	vld [tilespmem:s28+$0xFFFFFFD0];
	v4 =	vand.u32 $0x7D, v4  }
0x2b: {  	v7 =	vld [tilespmem:s28+$0xFFFFFFE0];
	v53 =	vadd.s32 v0, v4  }
0x2c: {  	v54 =	vld [tilespmem:s28+$0xFFFFFFF0];
	v55 =	vadd.s32 v1, v4  }
0x2d: {  	v56 =	vadd.s32 v2, v4  }
0x2e: {  	v4 =	vadd.s32 v3, v4;
	v5 =	vmul.f32 $8.000000000e+00, v5  }
0x2f: {  	v6 =	vmul.f32 $8.000000000e+00, v6  }
0x30: {  	v7 =	vmul.f32 $8.000000000e+00, v7;
	[tilespmem:v53+s17+$0x0] =	vst.idx.msk $0xffff, v5  }
0x31: {  	v5 =	vmul.f32 $8.000000000e+00, v54;
	[tilespmem:v55+s17+$0x0] =	vst.idx.msk $0xffff, v6  }
0x32: {  	[tilespmem:v56+s17+$0x0] =	vst.idx.msk $0xffff, v7  }
0x33: {  	s30 =	simm.s32 $0x2;
	[tilespmem:v4+s17+$0x0] =	vst.idx.msk $0xffff, v5  }
0x34: {  	v4 =	vmov s30;
	v5 =	vld [tilespmem:s28+$0x0]  }
0x35: {  	v6 =	vld [tilespmem:s28+$0x10];
	v4 =	vand.u32 $0x7E, v4  }
0x36: {  	v7 =	vld [tilespmem:s28+$0x20];
	v57 =	vadd.s32 v0, v4  }
0x37: {  	v58 =	vld [tilespmem:s28+$0x30];
	v59 =	vadd.s32 v1, v4  }
0x38: {  	v60 =	vadd.s32 v2, v4  }
0x39: {  	v4 =	vadd.s32 v3, v4;
	v5 =	vmul.f32 $8.000000000e+00, v5  }
0x3a: {  	v6 =	vmul.f32 $8.000000000e+00, v6  }
0x3b: {  	v7 =	vmul.f32 $8.000000000e+00, v7;
	[tilespmem:v57+s17+$0x0] =	vst.idx.msk $0xffff, v5  }
0x3c: {  	v5 =	vmul.f32 $8.000000000e+00, v58;
	[tilespmem:v59+s17+$0x0] =	vst.idx.msk $0xffff, v6  }
0x3d: {  	[tilespmem:v60+s17+$0x0] =	vst.idx.msk $0xffff, v7  }
0x3e: {  	s31 =	simm.s32 $0x3;
	[tilespmem:v4+s17+$0x0] =	vst.idx.msk $0xffff, v5  }
0x3f: {  	v4 =	vmov s31;
	v5 =	vld [tilespmem:s28+$0x40]  }
0x40: {  	v6 =	vld [tilespmem:s28+$0x50];
	v4 =	vand.u32 $0x7F, v4  }
0x41: {  	v7 =	vld [tilespmem:s28+$0x60];
	v61 =	vadd.s32 v0, v4  }
0x42: {  	v62 =	vadd.s32 v1, v4  }
0x43: {  	v10 =	vld [tilespmem:s28+$0x70];
	v63 =	vadd.s32 v2, v4  }
0x44: {  	v5 =	vmul.f32 $8.000000000e+00, v5  }
0x45: {  	v4 =	vadd.s32 v3, v4;
	v6 =	vmul.f32 $8.000000000e+00, v6  }
0x46: {  	v7 =	vmul.f32 $8.000000000e+00, v7;
	[tilespmem:v61+s17+$0x0] =	vst.idx.msk $0xffff, v5  }
0x47: {  	[tilespmem:v62+s17+$0x0] =	vst.idx.msk $0xffff, v6  }
0x48: {  	s29 =	simm.s32 $0x4;
	s26 =	sshll.u32 s25, $0x2;
	v5 =	vmul.f32 $8.000000000e+00, v10;
	[tilespmem:v63+s17+$0x0] =	vst.idx.msk $0xffff, v7  }
.LBB2_3:
0x49: {  	p1 =	sne.s32 s29, $0x7C  }
0x4a: {  	[tilespmem:v4+s17+$0x0] =	vst.idx.msk $0xffff, v5;
	s28 =	sadd.s32 $0x100, s28;
	s30 =	smov.u32 s29;
	s29 =	sadd.s32 $0x4, s29  }
0x4b: {  	v4 =	vmov s30;
	v5 =	vld [tilespmem:s28+$0xFFFFFF80]  }
0x4c: {  	v6 =	vld [tilespmem:s28+$0xFFFFFF90];
	v4 =	vand.u32 $0x7C, v4  }
0x4d: {  	v7 =	vld [tilespmem:s28+$0xFFFFFFA0];
	v8 =	vadd.s32 v0, v4  }
0x4e: {  	v10 =	vadd.s32 v1, v4;
	v9 =	vld [tilespmem:s28+$0xFFFFFFB0]  }
0x4f: {  	v11 =	vadd.s32 v2, v4  }
0x50: {  	v4 =	vadd.s32 v3, v4;
	v5 =	vmul.f32 $8.000000000e+00, v5  }
0x51: {  	v6 =	vmul.f32 $8.000000000e+00, v6  }
0x52: {  	v7 =	vmul.f32 $8.000000000e+00, v7;
	[tilespmem:v8+s17+$0x0] =	vst.idx.msk $0xffff, v5  }
0x53: {  	v5 =	vmul.f32 $8.000000000e+00, v9;
	[tilespmem:v10+s17+$0x0] =	vst.idx.msk $0xffff, v6  }
0x54: {  	[tilespmem:v11+s17+$0x0] =	vst.idx.msk $0xffff, v7  }
0x55: {  	s0 =	sadd.s32 $0x1, s30;
	[tilespmem:v4+s17+$0x0] =	vst.idx.msk $0xffff, v5  }
0x56: {  	v4 =	vmov s0;
	v5 =	vld [tilespmem:s28+$0xFFFFFFC0]  }
0x57: {  	v4 =	vand.u32 $0x7D, v4;
	v6 =	vld [tilespmem:s28+$0xFFFFFFD0]  }
0x58: {  	v8 =	vadd.s32 v0, v4;
	v7 =	vld [tilespmem:s28+$0xFFFFFFE0]  }
0x59: {  	v10 =	vadd.s32 v1, v4;
	v9 =	vld [tilespmem:s28+$0xFFFFFFF0]  }
0x5a: {  	v11 =	vadd.s32 v2, v4  }
0x5b: {  	v4 =	vadd.s32 v3, v4;
	v5 =	vmul.f32 $8.000000000e+00, v5  }
0x5c: {  	v6 =	vmul.f32 $8.000000000e+00, v6  }
0x5d: {  	v7 =	vmul.f32 $8.000000000e+00, v7;
	[tilespmem:v8+s17+$0x0] =	vst.idx.msk $0xffff, v5  }
0x5e: {  	v5 =	vmul.f32 $8.000000000e+00, v9;
	[tilespmem:v10+s17+$0x0] =	vst.idx.msk $0xffff, v6  }
0x5f: {  	[tilespmem:v11+s17+$0x0] =	vst.idx.msk $0xffff, v7  }
0x60: {  	s0 =	sadd.s32 $0x2, s30;
	[tilespmem:v4+s17+$0x0] =	vst.idx.msk $0xffff, v5  }
0x61: {  	v4 =	vmov s0;
	v5 =	vld [tilespmem:s28+$0x0]  }
0x62: {  	v4 =	vand.u32 $0x7E, v4;
	v6 =	vld [tilespmem:s28+$0x10]  }
0x63: {  	v8 =	vadd.s32 v0, v4;
	v7 =	vld [tilespmem:s28+$0x20]  }
0x64: {  	v10 =	vadd.s32 v1, v4;
	v9 =	vld [tilespmem:s28+$0x30]  }
0x65: {  	v11 =	vadd.s32 v2, v4  }
0x66: {  	v4 =	vadd.s32 v3, v4;
	v5 =	vmul.f32 $8.000000000e+00, v5  }
0x67: {  	v6 =	vmul.f32 $8.000000000e+00, v6  }
0x68: {  	v7 =	vmul.f32 $8.000000000e+00, v7;
	[tilespmem:v8+s17+$0x0] =	vst.idx.msk $0xffff, v5  }
0x69: {  	v5 =	vmul.f32 $8.000000000e+00, v9;
	[tilespmem:v10+s17+$0x0] =	vst.idx.msk $0xffff, v6  }
0x6a: {  	[tilespmem:v11+s17+$0x0] =	vst.idx.msk $0xffff, v7  }
0x6b: {  	s0 =	sadd.s32 $0x3, s30;
	[tilespmem:v4+s17+$0x0] =	vst.idx.msk $0xffff, v5  }
0x6c: {  	v4 =	vmov s0;
	v5 =	vld [tilespmem:s28+$0x40]  }
0x6d: {  	v4 =	vand.u32 $0x7F, v4;
	v6 =	vld [tilespmem:s28+$0x50]  }
0x6e: {  	v8 =	vadd.s32 v0, v4;
	v7 =	vld [tilespmem:s28+$0x60]  }
0x6f: {  	v10 =	vadd.s32 v1, v4;
	v9 =	vld [tilespmem:s28+$0x70]  }
0x70: {  	v11 =	vadd.s32 v2, v4  }
.Ltmp0:
0x71: {  	v4 =	vadd.s32 v3, v4;
	v5 =	vmul.f32 $8.000000000e+00, v5;
	(pc) =	sbr.rel @p1 .LBB2_3-.Ltmp0, $4  }
0x72: {  	v6 =	vmul.f32 $8.000000000e+00, v6  }
0x73: {  	v7 =	vmul.f32 $8.000000000e+00, v7;
	[tilespmem:v8+s17+$0x0] =	vst.idx.msk $0xffff, v5  }
0x74: {  	v5 =	vmul.f32 $8.000000000e+00, v9;
	[tilespmem:v10+s17+$0x0] =	vst.idx.msk $0xffff, v6  }
0x75: {  	[tilespmem:v11+s17+$0x0] =	vst.idx.msk $0xffff, v7  }
0x76: {  	s0 =	sadd.s32 s5, s26  }
0x77: {  	s1 =	sshll.u32 s0, $0x7  }
0x78: {  	s0 =	sshll.u32 s0, $0xA;
	s28 =	sand.u32 $0xE00, s1  }
0x79: {  	s29 =	sand.u32 $0xFFF8000, s0;
	s14 =	sadd.s32 s2, s28  }
0x7a: {  	[tilespmem:v4+s17+$0x0] =	vst.idx.msk $0xffff, v5;
	s1 =	simm.s32 $0xE400;
	s30 =	sadd.s32 s29, s14  }
0x7b: {  	[hbm4b:s30+s3] =	stream.linear.scatter [tilespmem:s1], [sflag:$0x5], $0x80, $0x38;
	[tilespmem:$0x12800] =	vst v63  }
0x7c: {  	s12 =	simm.s32 $0xE488;
	s14 =	sadd.s32 $0x10, s30  }
0x7d: {  	[hbm4b:s14+s3] =	stream.linear.scatter [tilespmem:s12], [sflag:$0x5], $0x80, $0x38;
	[tilespmem:$0x12800] =	vst v63  }
0x7e: {  	s12 =	simm.s32 $0xE510;
	s14 =	sadd.s32 $0x20, s30  }
0x7f: {  	[hbm4b:s14+s3] =	stream.linear.scatter [tilespmem:s12], [sflag:$0x5], $0x80, $0x38;
	[tilespmem:$0x12800] =	vst v63  }
0x80: {  	s12 =	simm.s32 $0xE598;
	s14 =	sadd.s32 $0x30, s30  }
0x81: {  	[hbm4b:s14+s3] =	stream.linear.scatter [tilespmem:s12], [sflag:$0x5], $0x80, $0x38;
	[tilespmem:$0x12800] =	vst v63  }
0x82: {  	s12 =	simm.s32 $0xE620;
	s14 =	sadd.s32 $0x40, s30  }
0x83: {  	[hbm4b:s14+s3] =	stream.linear.scatter [tilespmem:s12], [sflag:$0x5], $0x80, $0x38;
	[tilespmem:$0x12800] =	vst v63  }
0x84: {  	s31 =	simm.s32 $0x2200;
	s12 =	simm.s32 $0xE6A8;
	s14 =	sadd.s32 $0x50, s30  }
0x85: {  	[hbm4b:s14+s3] =	stream.linear.scatter [tilespmem:s12], [sflag:$0x5], $0x80, $0x38;
	[tilespmem:$0x12800] =	vst v63  }
0x86: {  	s0 =	simm.s32 $0xE7B8;
	s12 =	simm.s32 $0xE730;
	s14 =	sadd.s32 $0x60, s30  }
0x87: {  	[hbm4b:s14+s3] =	stream.linear.scatter [tilespmem:s12], [sflag:$0x5], $0x80, $0x38;
	[tilespmem:$0x12800] =	vst v63  }
0x88: {  	s1 =	simm.s32 $0x440;
	s12 =	sadd.s32 $0x70, s30;
	s30 =	sadd.s32 $0x1000, s30  }
.LBB2_5:
0x89: {  	[hbm4b:s12+s3] =	stream.linear.scatter [tilespmem:s0], [sflag:$0x5], $0x80, $0x38;
	[tilespmem:$0x12800] =	vst v63  }
0x8a: {  	s0 =	smov.u32 s1;
	s1 =	smov.u32 s31  }
0x8b: {  	s14 =	sadd.s32 $0x1100, s31;
	s1 =	sshra.s32 s1, $0x2;
	s12 =	sadd.s32 $0xE400, s0  }
0x8c: {  	[hbm4b:s30+s3] =	stream.linear.scatter [tilespmem:s12], [sflag:$0x5], $0x80, $0x38;
	[tilespmem:$0x12800] =	vst v63  }
0x8d: {  	p1 =	sne.s32 s31, $0x7700;
	s31 =	sadd.s32 $0x10, s30;
	s12 =	sadd.s32 $0xE488, s0  }
0x8e: {  	[hbm4b:s31+s3] =	stream.linear.scatter [tilespmem:s12], [sflag:$0x5], $0x80, $0x38;
	[tilespmem:$0x12800] =	vst v63  }
0x8f: {  	s12 =	sadd.s32 $0xE510, s0;
	s31 =	sadd.s32 $0x20, s30  }
0x90: {  	[hbm4b:s31+s3] =	stream.linear.scatter [tilespmem:s12], [sflag:$0x5], $0x80, $0x38;
	[tilespmem:$0x12800] =	vst v63  }
0x91: {  	s12 =	sadd.s32 $0xE598, s0;
	s31 =	sadd.s32 $0x30, s30  }
0x92: {  	[hbm4b:s31+s3] =	stream.linear.scatter [tilespmem:s12], [sflag:$0x5], $0x80, $0x38;
	[tilespmem:$0x12800] =	vst v63  }
0x93: {  	s12 =	sadd.s32 $0xE620, s0;
	s31 =	sadd.s32 $0x40, s30  }
0x94: {  	[hbm4b:s31+s3] =	stream.linear.scatter [tilespmem:s12], [sflag:$0x5], $0x80, $0x38;
	[tilespmem:$0x12800] =	vst v63  }
.Ltmp1:
0x95: {  	s12 =	sadd.s32 $0xE6A8, s0;
	s31 =	sadd.s32 $0x50, s30;
	(pc) =	sbr.rel @p1 .LBB2_5-.Ltmp1, $4  }
0x96: {  	[hbm4b:s31+s3] =	stream.linear.scatter [tilespmem:s12], [sflag:$0x5], $0x80, $0x38;
	[tilespmem:$0x12800] =	vst v63  }
0x97: {  	s12 =	sadd.s32 $0xE730, s0;
	s31 =	sadd.s32 $0x60, s30;
	s0 =	sadd.s32 $0xE7B8, s0  }
0x98: {  	[hbm4b:s31+s3] =	stream.linear.scatter [tilespmem:s12], [sflag:$0x5], $0x80, $0x38;
	[tilespmem:$0x12800] =	vst v63  }
0x99: {  	s12 =	sadd.s32 $0x70, s30;
	s30 =	sadd.s32 $0x1000, s30;
	s31 =	smov.u32 s14  }
0x9a: {  	[hbm4b:s12+s3] =	stream.linear.scatter [tilespmem:s0], [sflag:$0x5], $0x80, $0x38;
	[tilespmem:$0x12800] =	vst v63  }
0x9b: {  	s14 =	sadd.s32 $0xE400, s1  }
0x9c: {  	[hbm4b:s30+s3] =	stream.linear.scatter [tilespmem:s14], [sflag:$0x5], $0x80, $0x38;
	[tilespmem:$0x12800] =	vst v63  }
0x9d: {  	s12 =	sadd.s32 $0xE488, s1;
	s14 =	sadd.s32 $0x10, s30  }
0x9e: {  	[hbm4b:s14+s3] =	stream.linear.scatter [tilespmem:s12], [sflag:$0x5], $0x80, $0x38;
	[tilespmem:$0x12800] =	vst v63  }
0x9f: {  	s12 =	sadd.s32 $0xE510, s1;
	s14 =	sadd.s32 $0x20, s30  }
0xa0: {  	[hbm4b:s14+s3] =	stream.linear.scatter [tilespmem:s12], [sflag:$0x5], $0x80, $0x38;
	[tilespmem:$0x12800] =	vst v63  }
0xa1: {  	s12 =	sadd.s32 $0xE598, s1;
	s14 =	sadd.s32 $0x30, s30  }
0xa2: {  	[hbm4b:s14+s3] =	stream.linear.scatter [tilespmem:s12], [sflag:$0x5], $0x80, $0x38;
	[tilespmem:$0x12800] =	vst v63  }
0xa3: {  	s12 =	sadd.s32 $0xE620, s1;
	s14 =	sadd.s32 $0x40, s30  }
0xa4: {  	[hbm4b:s14+s3] =	stream.linear.scatter [tilespmem:s12], [sflag:$0x5], $0x80, $0x38;
	[tilespmem:$0x12800] =	vst v63  }
0xa5: {  	s12 =	sadd.s32 $0xE6A8, s1;
	s14 =	sadd.s32 $0x50, s30  }
0xa6: {  	[hbm4b:s14+s3] =	stream.linear.scatter [tilespmem:s12], [sflag:$0x5], $0x80, $0x38;
	[tilespmem:$0x12800] =	vst v63  }
0xa7: {  	s12 =	sadd.s32 $0xE730, s1;
	s14 =	sadd.s32 $0x60, s30  }
0xa8: {  	[hbm4b:s14+s3] =	stream.linear.scatter [tilespmem:s12], [sflag:$0x5], $0x80, $0x38;
	[tilespmem:$0x12800] =	vst v63  }
0xa9: {  	s12 =	sadd.s32 $0xE7B8, s1;
	s14 =	sadd.s32 $0x70, s30  }
0xaa: {  	[hbm4b:s14+s3] =	stream.linear.scatter [tilespmem:s12], [sflag:$0x5], $0x80, $0x38;
	[tilespmem:$0x12800] =	vst v63  }
0xab: {  	s12 =	sadd.s32 $0x4, s26  }
0xac: {  	p1 =	seq.s32 s12, $0xC8;
	s0 =	sshll.u32 s12, $0x9  }
0xad: {  	s0 =	simm.s32 @p1 $0x0  }
0xae: {  	s0 =	sshrl.u32 s0, $0x2  }
0xaf: {  	[tilespmem:s10], [sflag:$0x1] =	stream.indirect.gather [hbm4b:s4+s9], $0x40, s0, s9, $0xb8;
	[tilespmem:$0x12800] =	vst v63  }
0xb0: {  	_ =	swait.ge [sflag:s18], $0x2000  }
0xb1: {  	[sflag:s18] =	ssyncset.done $0x0  }
0xb2: {  	s0 =	simm.s32 @!p0 $0x6;
	[sflag:s18] =	ssyncadd.s32 $0xFFFFE000  }
0xb3: {  	_ =	swait.ge @!p0 [sflag:s0], $0x2000  }
0xb4: {  	[sflag:s0] =	ssyncset.done @!p0 $0x0  }
0xb5: {  	s30 =	simm.s32 $0x8480;
	s14 =	simm.s32 $0x0;
	[sflag:s0] =	ssyncadd.s32 @!p0 $0xFFFFE000  }
0xb6: {  	v4 =	vmov s14;
	v5 =	vld [tilespmem:s30+$0xFFFFFF80]  }
0xb7: {  	v4 =	vand.u32 $0x7C, v4;
	v6 =	vld [tilespmem:s30+$0xFFFFFF90]  }
0xb8: {  	v8 =	vadd.s32 v0, v4;
	v7 =	vld [tilespmem:s30+$0xFFFFFFA0]  }
0xb9: {  	v10 =	vadd.s32 v1, v4;
	v9 =	vld [tilespmem:s30+$0xFFFFFFB0]  }
0xba: {  	v11 =	vadd.s32 v2, v4  }
0xbb: {  	v4 =	vadd.s32 v3, v4;
	v5 =	vmul.f32 $8.000000000e+00, v5  }
0xbc: {  	v6 =	vmul.f32 $8.000000000e+00, v6  }
0xbd: {  	v7 =	vmul.f32 $8.000000000e+00, v7;
	[tilespmem:v8+s19+$0x0] =	vst.idx.msk $0xffff, v5  }
0xbe: {  	v5 =	vmul.f32 $8.000000000e+00, v9;
	[tilespmem:v10+s19+$0x0] =	vst.idx.msk $0xffff, v6  }
0xbf: {  	[tilespmem:v11+s19+$0x0] =	vst.idx.msk $0xffff, v7  }
0xc0: {  	s1 =	simm.s32 $0x1;
	[tilespmem:v4+s19+$0x0] =	vst.idx.msk $0xffff, v5  }
0xc1: {  	v4 =	vmov s1;
	v5 =	vld [tilespmem:s30+$0xFFFFFFC0]  }
0xc2: {  	v6 =	vld [tilespmem:s30+$0xFFFFFFD0];
	v4 =	vand.u32 $0x7D, v4  }
0xc3: {  	v7 =	vld [tilespmem:s30+$0xFFFFFFE0];
	v53 =	vadd.s32 v0, v4  }
0xc4: {  	v54 =	vld [tilespmem:s30+$0xFFFFFFF0];
	v55 =	vadd.s32 v1, v4  }
0xc5: {  	v56 =	vadd.s32 v2, v4  }
0xc6: {  	v4 =	vadd.s32 v3, v4;
	v5 =	vmul.f32 $8.000000000e+00, v5  }
0xc7: {  	v6 =	vmul.f32 $8.000000000e+00, v6  }
0xc8: {  	v7 =	vmul.f32 $8.000000000e+00, v7;
	[tilespmem:v53+s19+$0x0] =	vst.idx.msk $0xffff, v5  }
0xc9: {  	v5 =	vmul.f32 $8.000000000e+00, v54;
	[tilespmem:v55+s19+$0x0] =	vst.idx.msk $0xffff, v6  }
0xca: {  	[tilespmem:v56+s19+$0x0] =	vst.idx.msk $0xffff, v7  }
0xcb: {  	s12 =	simm.s32 $0x2;
	[tilespmem:v4+s19+$0x0] =	vst.idx.msk $0xffff, v5  }
0xcc: {  	v4 =	vmov s12;
	v5 =	vld [tilespmem:s30+$0x0]  }
0xcd: {  	v6 =	vld [tilespmem:s30+$0x10];
	v4 =	vand.u32 $0x7E, v4  }
0xce: {  	v7 =	vld [tilespmem:s30+$0x20];
	v57 =	vadd.s32 v0, v4  }
0xcf: {  	v58 =	vld [tilespmem:s30+$0x30];
	v59 =	vadd.s32 v1, v4  }
0xd0: {  	v60 =	vadd.s32 v2, v4  }
0xd1: {  	v4 =	vadd.s32 v3, v4;
	v5 =	vmul.f32 $8.000000000e+00, v5  }
0xd2: {  	v6 =	vmul.f32 $8.000000000e+00, v6  }
0xd3: {  	v7 =	vmul.f32 $8.000000000e+00, v7;
	[tilespmem:v57+s19+$0x0] =	vst.idx.msk $0xffff, v5  }
0xd4: {  	v5 =	vmul.f32 $8.000000000e+00, v58;
	[tilespmem:v59+s19+$0x0] =	vst.idx.msk $0xffff, v6  }
0xd5: {  	[tilespmem:v60+s19+$0x0] =	vst.idx.msk $0xffff, v7  }
0xd6: {  	s14 =	simm.s32 $0x3;
	[tilespmem:v4+s19+$0x0] =	vst.idx.msk $0xffff, v5  }
0xd7: {  	v4 =	vmov s14;
	v5 =	vld [tilespmem:s30+$0x40]  }
0xd8: {  	v6 =	vld [tilespmem:s30+$0x50];
	v4 =	vand.u32 $0x7F, v4  }
0xd9: {  	v7 =	vld [tilespmem:s30+$0x60];
	v61 =	vadd.s32 v0, v4  }
0xda: {  	v62 =	vadd.s32 v1, v4  }
0xdb: {  	v10 =	vld [tilespmem:s30+$0x70];
	v63 =	vadd.s32 v2, v4  }
0xdc: {  	v5 =	vmul.f32 $8.000000000e+00, v5  }
0xdd: {  	v4 =	vadd.s32 v3, v4;
	v6 =	vmul.f32 $8.000000000e+00, v6  }
0xde: {  	v7 =	vmul.f32 $8.000000000e+00, v7;
	[tilespmem:v61+s19+$0x0] =	vst.idx.msk $0xffff, v5  }
0xdf: {  	[tilespmem:v62+s19+$0x0] =	vst.idx.msk $0xffff, v6  }
0xe0: {  	s31 =	simm.s32 $0x4;
	v5 =	vmul.f32 $8.000000000e+00, v10;
	[tilespmem:v63+s19+$0x0] =	vst.idx.msk $0xffff, v7  }
.LBB2_7:
0xe1: {  	p0 =	sne.s32 s31, $0x7C  }
0xe2: {  	[tilespmem:v4+s19+$0x0] =	vst.idx.msk $0xffff, v5;
	s30 =	sadd.s32 $0x100, s30;
	s1 =	smov.u32 s31;
	s31 =	sadd.s32 $0x4, s31  }
0xe3: {  	v4 =	vmov s1;
	v5 =	vld [tilespmem:s30+$0xFFFFFF80]  }
0xe4: {  	v6 =	vld [tilespmem:s30+$0xFFFFFF90];
	v4 =	vand.u32 $0x7C, v4  }
0xe5: {  	v7 =	vld [tilespmem:s30+$0xFFFFFFA0];
	v8 =	vadd.s32 v0, v4  }
0xe6: {  	v10 =	vadd.s32 v1, v4;
	v9 =	vld [tilespmem:s30+$0xFFFFFFB0]  }
0xe7: {  	v11 =	vadd.s32 v2, v4  }
0xe8: {  	v4 =	vadd.s32 v3, v4;
	v5 =	vmul.f32 $8.000000000e+00, v5  }
0xe9: {  	v6 =	vmul.f32 $8.000000000e+00, v6  }
0xea: {  	v7 =	vmul.f32 $8.000000000e+00, v7;
	[tilespmem:v8+s19+$0x0] =	vst.idx.msk $0xffff, v5  }
0xeb: {  	v5 =	vmul.f32 $8.000000000e+00, v9;
	[tilespmem:v10+s19+$0x0] =	vst.idx.msk $0xffff, v6  }
0xec: {  	[tilespmem:v11+s19+$0x0] =	vst.idx.msk $0xffff, v7  }
0xed: {  	s0 =	sadd.s32 $0x1, s1;
	[tilespmem:v4+s19+$0x0] =	vst.idx.msk $0xffff, v5  }
0xee: {  	v4 =	vmov s0;
	v5 =	vld [tilespmem:s30+$0xFFFFFFC0]  }
0xef: {  	v4 =	vand.u32 $0x7D, v4;
	v6 =	vld [tilespmem:s30+$0xFFFFFFD0]  }
0xf0: {  	v8 =	vadd.s32 v0, v4;
	v7 =	vld [tilespmem:s30+$0xFFFFFFE0]  }
0xf1: {  	v10 =	vadd.s32 v1, v4;
	v9 =	vld [tilespmem:s30+$0xFFFFFFF0]  }
0xf2: {  	v11 =	vadd.s32 v2, v4  }
0xf3: {  	v4 =	vadd.s32 v3, v4;
	v5 =	vmul.f32 $8.000000000e+00, v5  }
0xf4: {  	v6 =	vmul.f32 $8.000000000e+00, v6  }
0xf5: {  	v7 =	vmul.f32 $8.000000000e+00, v7;
	[tilespmem:v8+s19+$0x0] =	vst.idx.msk $0xffff, v5  }
0xf6: {  	v5 =	vmul.f32 $8.000000000e+00, v9;
	[tilespmem:v10+s19+$0x0] =	vst.idx.msk $0xffff, v6  }
0xf7: {  	[tilespmem:v11+s19+$0x0] =	vst.idx.msk $0xffff, v7  }
0xf8: {  	s0 =	sadd.s32 $0x2, s1;
	[tilespmem:v4+s19+$0x0] =	vst.idx.msk $0xffff, v5  }
0xf9: {  	v4 =	vmov s0;
	v5 =	vld [tilespmem:s30+$0x0]  }
0xfa: {  	v4 =	vand.u32 $0x7E, v4;
	v6 =	vld [tilespmem:s30+$0x10]  }
0xfb: {  	v8 =	vadd.s32 v0, v4;
	v7 =	vld [tilespmem:s30+$0x20]  }
0xfc: {  	v10 =	vadd.s32 v1, v4;
	v9 =	vld [tilespmem:s30+$0x30]  }
0xfd: {  	v11 =	vadd.s32 v2, v4  }
0xfe: {  	v4 =	vadd.s32 v3, v4;
	v5 =	vmul.f32 $8.000000000e+00, v5  }
0xff: {  	v6 =	vmul.f32 $8.000000000e+00, v6  }
0x100: {  	v7 =	vmul.f32 $8.000000000e+00, v7;
	[tilespmem:v8+s19+$0x0] =	vst.idx.msk $0xffff, v5  }
0x101: {  	v5 =	vmul.f32 $8.000000000e+00, v9;
	[tilespmem:v10+s19+$0x0] =	vst.idx.msk $0xffff, v6  }
0x102: {  	[tilespmem:v11+s19+$0x0] =	vst.idx.msk $0xffff, v7  }
0x103: {  	s0 =	sadd.s32 $0x3, s1;
	[tilespmem:v4+s19+$0x0] =	vst.idx.msk $0xffff, v5  }
0x104: {  	v4 =	vmov s0;
	v5 =	vld [tilespmem:s30+$0x40]  }
0x105: {  	v4 =	vand.u32 $0x7F, v4;
	v6 =	vld [tilespmem:s30+$0x50]  }
0x106: {  	v8 =	vadd.s32 v0, v4;
	v7 =	vld [tilespmem:s30+$0x60]  }
0x107: {  	v10 =	vadd.s32 v1, v4;
	v9 =	vld [tilespmem:s30+$0x70]  }
0x108: {  	v11 =	vadd.s32 v2, v4  }
.Ltmp2:
0x109: {  	v4 =	vadd.s32 v3, v4;
	v5 =	vmul.f32 $8.000000000e+00, v5;
	(pc) =	sbr.rel @p0 .LBB2_7-.Ltmp2, $4  }
0x10a: {  	v6 =	vmul.f32 $8.000000000e+00, v6  }
0x10b: {  	v7 =	vmul.f32 $8.000000000e+00, v7;
	[tilespmem:v8+s19+$0x0] =	vst.idx.msk $0xffff, v5  }
0x10c: {  	v5 =	vmul.f32 $8.000000000e+00, v9;
	[tilespmem:v10+s19+$0x0] =	vst.idx.msk $0xffff, v6  }
0x10d: {  	[tilespmem:v11+s19+$0x0] =	vst.idx.msk $0xffff, v7  }
0x10e: {  	_ =	sdelay $0x1  }
0x10f: {  	s0 =	sadd.s32 s2, s29  }
0x110: {  	s28 =	sadd.s32 s28, s0  }
0x111: {  	[tilespmem:v4+s19+$0x0] =	vst.idx.msk $0xffff, v5;
	s12 =	simm.s32 $0x10600;
	s14 =	sadd.s32 $0x80, s28  }
0x112: {  	[hbm4b:s14+s3] =	stream.linear.scatter [tilespmem:s12], [sflag:$0x6], $0x80, $0x38;
	[tilespmem:$0x12800] =	vst v63  }
0x113: {  	s31 =	simm.s32 $0x10688;
	s1 =	sadd.s32 $0x10, s14  }
0x114: {  	[hbm4b:s1+s3] =	stream.linear.scatter [tilespmem:s31], [sflag:$0x6], $0x80, $0x38;
	[tilespmem:$0x12800] =	vst v63  }
0x115: {  	s12 =	simm.s32 $0x10710;
	s31 =	sadd.s32 $0x20, s14  }
0x116: {  	[hbm4b:s31+s3] =	stream.linear.scatter [tilespmem:s12], [sflag:$0x6], $0x80, $0x38;
	[tilespmem:$0x12800] =	vst v63  }
0x117: {  	s12 =	simm.s32 $0x10798;
	s31 =	sadd.s32 $0x30, s14  }
0x118: {  	[hbm4b:s31+s3] =	stream.linear.scatter [tilespmem:s12], [sflag:$0x6], $0x80, $0x38;
	[tilespmem:$0x12800] =	vst v63  }
0x119: {  	s12 =	simm.s32 $0x10820;
	s31 =	sadd.s32 $0x40, s14  }
0x11a: {  	[hbm4b:s31+s3] =	stream.linear.scatter [tilespmem:s12], [sflag:$0x6], $0x80, $0x38;
	[tilespmem:$0x12800] =	vst v63  }
0x11b: {  	s30 =	simm.s32 $0x2200;
	s12 =	simm.s32 $0x108A8;
	s31 =	sadd.s32 $0x50, s14  }
0x11c: {  	[hbm4b:s31+s3] =	stream.linear.scatter [tilespmem:s12], [sflag:$0x6], $0x80, $0x38;
	[tilespmem:$0x12800] =	vst v63  }
0x11d: {  	s0 =	simm.s32 $0x109B8;
	s12 =	simm.s32 $0x10930;
	s31 =	sadd.s32 $0x60, s14  }
0x11e: {  	[hbm4b:s31+s3] =	stream.linear.scatter [tilespmem:s12], [sflag:$0x6], $0x80, $0x38;
	[tilespmem:$0x12800] =	vst v63  }
0x11f: {  	s29 =	sadd.s32 $0x1000, s14;
	s1 =	simm.s32 $0x440;
	s12 =	sadd.s32 $0x70, s14  }
.LBB2_9:
0x120: {  	[hbm4b:s12+s3] =	stream.linear.scatter [tilespmem:s0], [sflag:$0x6], $0x80, $0x38;
	[tilespmem:$0x12800] =	vst v63  }
0x121: {  	s0 =	smov.u32 s1;
	s1 =	smov.u32 s30  }
0x122: {  	s14 =	sadd.s32 $0x1100, s30;
	s1 =	sshra.s32 s1, $0x2;
	s12 =	sadd.s32 $0x10600, s0  }
0x123: {  	[hbm4b:s29+s3] =	stream.linear.scatter [tilespmem:s12], [sflag:$0x6], $0x80, $0x38;
	[tilespmem:$0x12800] =	vst v63  }
0x124: {  	p0 =	sne.s32 s30, $0x7700;
	s30 =	sadd.s32 $0x10, s29;
	s12 =	sadd.s32 $0x10688, s0  }
0x125: {  	[hbm4b:s30+s3] =	stream.linear.scatter [tilespmem:s12], [sflag:$0x6], $0x80, $0x38;
	[tilespmem:$0x12800] =	vst v63  }
0x126: {  	s12 =	sadd.s32 $0x10710, s0;
	s30 =	sadd.s32 $0x20, s29  }
0x127: {  	[hbm4b:s30+s3] =	stream.linear.scatter [tilespmem:s12], [sflag:$0x6], $0x80, $0x38;
	[tilespmem:$0x12800] =	vst v63  }
0x128: {  	s12 =	sadd.s32 $0x10798, s0;
	s30 =	sadd.s32 $0x30, s29  }
0x129: {  	[hbm4b:s30+s3] =	stream.linear.scatter [tilespmem:s12], [sflag:$0x6], $0x80, $0x38;
	[tilespmem:$0x12800] =	vst v63  }
0x12a: {  	s12 =	sadd.s32 $0x10820, s0;
	s30 =	sadd.s32 $0x40, s29  }
0x12b: {  	[hbm4b:s30+s3] =	stream.linear.scatter [tilespmem:s12], [sflag:$0x6], $0x80, $0x38;
	[tilespmem:$0x12800] =	vst v63  }
.Ltmp3:
0x12c: {  	s12 =	sadd.s32 $0x108A8, s0;
	s30 =	sadd.s32 $0x50, s29;
	(pc) =	sbr.rel @p0 .LBB2_9-.Ltmp3, $4  }
0x12d: {  	[hbm4b:s30+s3] =	stream.linear.scatter [tilespmem:s12], [sflag:$0x6], $0x80, $0x38;
	[tilespmem:$0x12800] =	vst v63  }
0x12e: {  	s12 =	sadd.s32 $0x10930, s0;
	s30 =	sadd.s32 $0x60, s29;
	s0 =	sadd.s32 $0x109B8, s0  }
0x12f: {  	[hbm4b:s30+s3] =	stream.linear.scatter [tilespmem:s12], [sflag:$0x6], $0x80, $0x38;
	[tilespmem:$0x12800] =	vst v63  }
0x130: {  	s12 =	sadd.s32 $0x70, s29;
	s29 =	sadd.s32 $0x1000, s29;
	s30 =	smov.u32 s14  }
0x131: {  	[hbm4b:s12+s3] =	stream.linear.scatter [tilespmem:s0], [sflag:$0x6], $0x80, $0x38;
	[tilespmem:$0x12800] =	vst v63  }
0x132: {  	s12 =	sadd.s32 $0x10600, s1  }
0x133: {  	[hbm4b:s29+s3] =	stream.linear.scatter [tilespmem:s12], [sflag:$0x6], $0x80, $0x38;
	[tilespmem:$0x12800] =	vst v63  }
0x134: {  	s14 =	sadd.s32 $0x10688, s1;
	s31 =	sadd.s32 $0x10, s29  }
0x135: {  	[hbm4b:s31+s3] =	stream.linear.scatter [tilespmem:s14], [sflag:$0x6], $0x80, $0x38;
	[tilespmem:$0x12800] =	vst v63  }
0x136: {  	s14 =	sadd.s32 $0x10710, s1;
	s31 =	sadd.s32 $0x20, s29  }
0x137: {  	[hbm4b:s31+s3] =	stream.linear.scatter [tilespmem:s14], [sflag:$0x6], $0x80, $0x38;
	[tilespmem:$0x12800] =	vst v63  }
0x138: {  	s14 =	sadd.s32 $0x10798, s1;
	s31 =	sadd.s32 $0x30, s29  }
0x139: {  	[hbm4b:s31+s3] =	stream.linear.scatter [tilespmem:s14], [sflag:$0x6], $0x80, $0x38;
	[tilespmem:$0x12800] =	vst v63  }
0x13a: {  	s0 =	sadd.s32 $0x5, s26;
	s14 =	sadd.s32 $0x10820, s1;
	s31 =	sadd.s32 $0x40, s29  }
0x13b: {  	[hbm4b:s31+s3] =	stream.linear.scatter [tilespmem:s14], [sflag:$0x6], $0x80, $0x38;
	[tilespmem:$0x12800] =	vst v63  }
0x13c: {  	s30 =	smulhi.u32 $0x51EB851F, s0;
	s12 =	sadd.s32 $0x108A8, s1;
	s14 =	sadd.s32 $0x50, s29  }
0x13d: {  	[hbm4b:s14+s3] =	stream.linear.scatter [tilespmem:s12], [sflag:$0x6], $0x80, $0x38;
	[tilespmem:$0x12800] =	vst v63  }
0x13e: {  	s12 =	sshrl.u32 s30, $0x6  }
0x13f: {  	s31 =	sadd.s32 $0x10930, s1;
	s14 =	sadd.s32 $0x60, s29;
	s12 =	smul.u32 $0xC8, s12  }
0x140: {  	[hbm4b:s14+s3] =	stream.linear.scatter [tilespmem:s31], [sflag:$0x6], $0x80, $0x38;
	[tilespmem:$0x12800] =	vst v63  }
0x141: {  	s14 =	sadd.s32 $0x109B8, s1;
	s31 =	sadd.s32 $0x70, s29;
	s0 =	ssub.s32 s0, s12  }
0x142: {  	[hbm4b:s31+s3] =	stream.linear.scatter [tilespmem:s14], [sflag:$0x6], $0x80, $0x38;
	[tilespmem:$0x12800] =	vst v63  }
0x143: {  	s0 =	sshll.u32 s0, $0x7  }
0x144: {  	[tilespmem:s11], [sflag:$0x2] =	stream.indirect.gather [hbm4b:s4+s9], $0x40, s0, s9, $0xb8;
	[tilespmem:$0x12800] =	vst v63  }
0x145: {  	_ =	swait.ge [sflag:s20], $0x2000  }
0x146: {  	[sflag:s20] =	ssyncset.done $0x0  }
0x147: {  	[sflag:s20] =	ssyncadd.s32 $0xFFFFE000  }
0x148: {  	_ =	swait.ge [sflag:s21], $0x2000  }
0x149: {  	[sflag:s21] =	ssyncset.done $0x0  }
0x14a: {  	s1 =	simm.s32 $0x0;
	s29 =	simm.s32 $0xA480;
	[sflag:s21] =	ssyncadd.s32 $0xFFFFE000  }
0x14b: {  	v4 =	vmov s1;
	v5 =	vld [tilespmem:s29+$0xFFFFFF80]  }
0x14c: {  	v4 =	vand.u32 $0x7C, v4;
	v6 =	vld [tilespmem:s29+$0xFFFFFF90]  }
0x14d: {  	v8 =	vadd.s32 v0, v4;
	v7 =	vld [tilespmem:s29+$0xFFFFFFA0]  }
0x14e: {  	v10 =	vadd.s32 v1, v4;
	v9 =	vld [tilespmem:s29+$0xFFFFFFB0]  }
0x14f: {  	v11 =	vadd.s32 v2, v4  }
0x150: {  	v4 =	vadd.s32 v3, v4;
	v5 =	vmul.f32 $8.000000000e+00, v5  }
0x151: {  	v6 =	vmul.f32 $8.000000000e+00, v6  }
0x152: {  	v7 =	vmul.f32 $8.000000000e+00, v7;
	[tilespmem:v8+s17+$0x0] =	vst.idx.msk $0xffff, v5  }
0x153: {  	v5 =	vmul.f32 $8.000000000e+00, v9;
	[tilespmem:v10+s17+$0x0] =	vst.idx.msk $0xffff, v6  }
0x154: {  	[tilespmem:v11+s17+$0x0] =	vst.idx.msk $0xffff, v7  }
0x155: {  	s12 =	simm.s32 $0x1;
	[tilespmem:v4+s17+$0x0] =	vst.idx.msk $0xffff, v5  }
0x156: {  	v4 =	vmov s12;
	v5 =	vld [tilespmem:s29+$0xFFFFFFC0]  }
0x157: {  	v6 =	vld [tilespmem:s29+$0xFFFFFFD0];
	v4 =	vand.u32 $0x7D, v4  }
0x158: {  	v7 =	vld [tilespmem:s29+$0xFFFFFFE0];
	v53 =	vadd.s32 v0, v4  }
0x159: {  	v54 =	vld [tilespmem:s29+$0xFFFFFFF0];
	v55 =	vadd.s32 v1, v4  }
0x15a: {  	v56 =	vadd.s32 v2, v4  }
0x15b: {  	v4 =	vadd.s32 v3, v4;
	v5 =	vmul.f32 $8.000000000e+00, v5  }
0x15c: {  	v6 =	vmul.f32 $8.000000000e+00, v6  }
0x15d: {  	v7 =	vmul.f32 $8.000000000e+00, v7;
	[tilespmem:v53+s17+$0x0] =	vst.idx.msk $0xffff, v5  }
0x15e: {  	v5 =	vmul.f32 $8.000000000e+00, v54;
	[tilespmem:v55+s17+$0x0] =	vst.idx.msk $0xffff, v6  }
0x15f: {  	[tilespmem:v56+s17+$0x0] =	vst.idx.msk $0xffff, v7  }
0x160: {  	s14 =	simm.s32 $0x2;
	[tilespmem:v4+s17+$0x0] =	vst.idx.msk $0xffff, v5  }
0x161: {  	v4 =	vmov s14;
	v5 =	vld [tilespmem:s29+$0x0]  }
0x162: {  	v6 =	vld [tilespmem:s29+$0x10];
	v4 =	vand.u32 $0x7E, v4  }
0x163: {  	v7 =	vld [tilespmem:s29+$0x20];
	v57 =	vadd.s32 v0, v4  }
0x164: {  	v58 =	vld [tilespmem:s29+$0x30];
	v59 =	vadd.s32 v1, v4  }
0x165: {  	v60 =	vadd.s32 v2, v4  }
0x166: {  	v4 =	vadd.s32 v3, v4;
	v5 =	vmul.f32 $8.000000000e+00, v5  }
0x167: {  	v6 =	vmul.f32 $8.000000000e+00, v6  }
0x168: {  	v7 =	vmul.f32 $8.000000000e+00, v7;
	[tilespmem:v57+s17+$0x0] =	vst.idx.msk $0xffff, v5  }
0x169: {  	v5 =	vmul.f32 $8.000000000e+00, v58;
	[tilespmem:v59+s17+$0x0] =	vst.idx.msk $0xffff, v6  }
0x16a: {  	[tilespmem:v60+s17+$0x0] =	vst.idx.msk $0xffff, v7  }
0x16b: {  	s31 =	simm.s32 $0x3;
	[tilespmem:v4+s17+$0x0] =	vst.idx.msk $0xffff, v5  }
0x16c: {  	v4 =	vmov s31;
	v5 =	vld [tilespmem:s29+$0x40]  }
0x16d: {  	v6 =	vld [tilespmem:s29+$0x50];
	v4 =	vand.u32 $0x7F, v4  }
0x16e: {  	v7 =	vld [tilespmem:s29+$0x60];
	v61 =	vadd.s32 v0, v4  }
0x16f: {  	v62 =	vadd.s32 v1, v4  }
0x170: {  	v10 =	vld [tilespmem:s29+$0x70];
	v63 =	vadd.s32 v2, v4  }
0x171: {  	v5 =	vmul.f32 $8.000000000e+00, v5  }
0x172: {  	v4 =	vadd.s32 v3, v4;
	v6 =	vmul.f32 $8.000000000e+00, v6  }
0x173: {  	v7 =	vmul.f32 $8.000000000e+00, v7;
	[tilespmem:v61+s17+$0x0] =	vst.idx.msk $0xffff, v5  }
0x174: {  	[tilespmem:v62+s17+$0x0] =	vst.idx.msk $0xffff, v6  }
0x175: {  	s30 =	simm.s32 $0x4;
	v5 =	vmul.f32 $8.000000000e+00, v10;
	[tilespmem:v63+s17+$0x0] =	vst.idx.msk $0xffff, v7  }
.LBB2_11:
0x176: {  	p0 =	sne.s32 s30, $0x7C  }
0x177: {  	[tilespmem:v4+s17+$0x0] =	vst.idx.msk $0xffff, v5;
	s29 =	sadd.s32 $0x100, s29;
	s1 =	smov.u32 s30;
	s30 =	sadd.s32 $0x4, s30  }
0x178: {  	v4 =	vmov s1;
	v5 =	vld [tilespmem:s29+$0xFFFFFF80]  }
0x179: {  	v6 =	vld [tilespmem:s29+$0xFFFFFF90];
	v4 =	vand.u32 $0x7C, v4  }
0x17a: {  	v7 =	vld [tilespmem:s29+$0xFFFFFFA0];
	v8 =	vadd.s32 v0, v4  }
0x17b: {  	v10 =	vadd.s32 v1, v4;
	v9 =	vld [tilespmem:s29+$0xFFFFFFB0]  }
0x17c: {  	v11 =	vadd.s32 v2, v4  }
0x17d: {  	v4 =	vadd.s32 v3, v4;
	v5 =	vmul.f32 $8.000000000e+00, v5  }
0x17e: {  	v6 =	vmul.f32 $8.000000000e+00, v6  }
0x17f: {  	v7 =	vmul.f32 $8.000000000e+00, v7;
	[tilespmem:v8+s17+$0x0] =	vst.idx.msk $0xffff, v5  }
0x180: {  	v5 =	vmul.f32 $8.000000000e+00, v9;
	[tilespmem:v10+s17+$0x0] =	vst.idx.msk $0xffff, v6  }
0x181: {  	[tilespmem:v11+s17+$0x0] =	vst.idx.msk $0xffff, v7  }
0x182: {  	s0 =	sadd.s32 $0x1, s1;
	[tilespmem:v4+s17+$0x0] =	vst.idx.msk $0xffff, v5  }
0x183: {  	v4 =	vmov s0;
	v5 =	vld [tilespmem:s29+$0xFFFFFFC0]  }
0x184: {  	v4 =	vand.u32 $0x7D, v4;
	v6 =	vld [tilespmem:s29+$0xFFFFFFD0]  }
0x185: {  	v8 =	vadd.s32 v0, v4;
	v7 =	vld [tilespmem:s29+$0xFFFFFFE0]  }
0x186: {  	v10 =	vadd.s32 v1, v4;
	v9 =	vld [tilespmem:s29+$0xFFFFFFF0]  }
0x187: {  	v11 =	vadd.s32 v2, v4  }
0x188: {  	v4 =	vadd.s32 v3, v4;
	v5 =	vmul.f32 $8.000000000e+00, v5  }
0x189: {  	v6 =	vmul.f32 $8.000000000e+00, v6  }
0x18a: {  	v7 =	vmul.f32 $8.000000000e+00, v7;
	[tilespmem:v8+s17+$0x0] =	vst.idx.msk $0xffff, v5  }
0x18b: {  	v5 =	vmul.f32 $8.000000000e+00, v9;
	[tilespmem:v10+s17+$0x0] =	vst.idx.msk $0xffff, v6  }
0x18c: {  	[tilespmem:v11+s17+$0x0] =	vst.idx.msk $0xffff, v7  }
0x18d: {  	s0 =	sadd.s32 $0x2, s1;
	[tilespmem:v4+s17+$0x0] =	vst.idx.msk $0xffff, v5  }
0x18e: {  	v4 =	vmov s0;
	v5 =	vld [tilespmem:s29+$0x0]  }
0x18f: {  	v4 =	vand.u32 $0x7E, v4;
	v6 =	vld [tilespmem:s29+$0x10]  }
0x190: {  	v8 =	vadd.s32 v0, v4;
	v7 =	vld [tilespmem:s29+$0x20]  }
0x191: {  	v10 =	vadd.s32 v1, v4;
	v9 =	vld [tilespmem:s29+$0x30]  }
0x192: {  	v11 =	vadd.s32 v2, v4  }
0x193: {  	v4 =	vadd.s32 v3, v4;
	v5 =	vmul.f32 $8.000000000e+00, v5  }
0x194: {  	v6 =	vmul.f32 $8.000000000e+00, v6  }
0x195: {  	v7 =	vmul.f32 $8.000000000e+00, v7;
	[tilespmem:v8+s17+$0x0] =	vst.idx.msk $0xffff, v5  }
0x196: {  	v5 =	vmul.f32 $8.000000000e+00, v9;
	[tilespmem:v10+s17+$0x0] =	vst.idx.msk $0xffff, v6  }
0x197: {  	[tilespmem:v11+s17+$0x0] =	vst.idx.msk $0xffff, v7  }
0x198: {  	s0 =	sadd.s32 $0x3, s1;
	[tilespmem:v4+s17+$0x0] =	vst.idx.msk $0xffff, v5  }
0x199: {  	v4 =	vmov s0;
	v5 =	vld [tilespmem:s29+$0x40]  }
0x19a: {  	v4 =	vand.u32 $0x7F, v4;
	v6 =	vld [tilespmem:s29+$0x50]  }
0x19b: {  	v8 =	vadd.s32 v0, v4;
	v7 =	vld [tilespmem:s29+$0x60]  }
0x19c: {  	v10 =	vadd.s32 v1, v4;
	v9 =	vld [tilespmem:s29+$0x70]  }
0x19d: {  	v11 =	vadd.s32 v2, v4  }
.Ltmp4:
0x19e: {  	v4 =	vadd.s32 v3, v4;
	v5 =	vmul.f32 $8.000000000e+00, v5;
	(pc) =	sbr.rel @p0 .LBB2_11-.Ltmp4, $4  }
0x19f: {  	v6 =	vmul.f32 $8.000000000e+00, v6  }
0x1a0: {  	v7 =	vmul.f32 $8.000000000e+00, v7;
	[tilespmem:v8+s17+$0x0] =	vst.idx.msk $0xffff, v5  }
0x1a1: {  	v5 =	vmul.f32 $8.000000000e+00, v9;
	[tilespmem:v10+s17+$0x0] =	vst.idx.msk $0xffff, v6  }
0x1a2: {  	[tilespmem:v11+s17+$0x0] =	vst.idx.msk $0xffff, v7  }
0x1a3: {  	_ =	sdelay $0x3  }
0x1a4: {  	[tilespmem:v4+s17+$0x0] =	vst.idx.msk $0xffff, v5;
	s14 =	sadd.s32 $0x100, s28;
	s0 =	simm.s32 $0xE400  }
0x1a5: {  	[hbm4b:s14+s3] =	stream.linear.scatter [tilespmem:s0], [sflag:$0x5], $0x80, $0x38;
	[tilespmem:$0x12800] =	vst v63  }
0x1a6: {  	s31 =	simm.s32 $0xE488;
	s1 =	sadd.s32 $0x10, s14  }
0x1a7: {  	[hbm4b:s1+s3] =	stream.linear.scatter [tilespmem:s31], [sflag:$0x5], $0x80, $0x38;
	[tilespmem:$0x12800] =	vst v63  }
0x1a8: {  	s12 =	simm.s32 $0xE510;
	s31 =	sadd.s32 $0x20, s14  }
0x1a9: {  	[hbm4b:s31+s3] =	stream.linear.scatter [tilespmem:s12], [sflag:$0x5], $0x80, $0x38;
	[tilespmem:$0x12800] =	vst v63  }
0x1aa: {  	s12 =	simm.s32 $0xE598;
	s31 =	sadd.s32 $0x30, s14  }
0x1ab: {  	[hbm4b:s31+s3] =	stream.linear.scatter [tilespmem:s12], [sflag:$0x5], $0x80, $0x38;
	[tilespmem:$0x12800] =	vst v63  }
0x1ac: {  	s12 =	simm.s32 $0xE620;
	s31 =	sadd.s32 $0x40, s14  }
0x1ad: {  	[hbm4b:s31+s3] =	stream.linear.scatter [tilespmem:s12], [sflag:$0x5], $0x80, $0x38;
	[tilespmem:$0x12800] =	vst v63  }
0x1ae: {  	s30 =	simm.s32 $0x2200;
	s12 =	simm.s32 $0xE6A8;
	s31 =	sadd.s32 $0x50, s14  }
0x1af: {  	[hbm4b:s31+s3] =	stream.linear.scatter [tilespmem:s12], [sflag:$0x5], $0x80, $0x38;
	[tilespmem:$0x12800] =	vst v63  }
0x1b0: {  	s0 =	simm.s32 $0xE7B8;
	s12 =	simm.s32 $0xE730;
	s31 =	sadd.s32 $0x60, s14  }
0x1b1: {  	[hbm4b:s31+s3] =	stream.linear.scatter [tilespmem:s12], [sflag:$0x5], $0x80, $0x38;
	[tilespmem:$0x12800] =	vst v63  }
0x1b2: {  	s29 =	sadd.s32 $0x1000, s14;
	s1 =	simm.s32 $0x440;
	s12 =	sadd.s32 $0x70, s14  }
.LBB2_13:
0x1b3: {  	[hbm4b:s12+s3] =	stream.linear.scatter [tilespmem:s0], [sflag:$0x5], $0x80, $0x38;
	[tilespmem:$0x12800] =	vst v63  }
0x1b4: {  	s0 =	smov.u32 s1;
	s1 =	smov.u32 s30  }
0x1b5: {  	s14 =	sadd.s32 $0x1100, s30;
	s1 =	sshra.s32 s1, $0x2;
	s12 =	sadd.s32 $0xE400, s0  }
0x1b6: {  	[hbm4b:s29+s3] =	stream.linear.scatter [tilespmem:s12], [sflag:$0x5], $0x80, $0x38;
	[tilespmem:$0x12800] =	vst v63  }
0x1b7: {  	p0 =	sne.s32 s30, $0x7700;
	s30 =	sadd.s32 $0x10, s29;
	s12 =	sadd.s32 $0xE488, s0  }
0x1b8: {  	[hbm4b:s30+s3] =	stream.linear.scatter [tilespmem:s12], [sflag:$0x5], $0x80, $0x38;
	[tilespmem:$0x12800] =	vst v63  }
0x1b9: {  	s12 =	sadd.s32 $0xE510, s0;
	s30 =	sadd.s32 $0x20, s29  }
0x1ba: {  	[hbm4b:s30+s3] =	stream.linear.scatter [tilespmem:s12], [sflag:$0x5], $0x80, $0x38;
	[tilespmem:$0x12800] =	vst v63  }
0x1bb: {  	s12 =	sadd.s32 $0xE598, s0;
	s30 =	sadd.s32 $0x30, s29  }
0x1bc: {  	[hbm4b:s30+s3] =	stream.linear.scatter [tilespmem:s12], [sflag:$0x5], $0x80, $0x38;
	[tilespmem:$0x12800] =	vst v63  }
0x1bd: {  	s12 =	sadd.s32 $0xE620, s0;
	s30 =	sadd.s32 $0x40, s29  }
0x1be: {  	[hbm4b:s30+s3] =	stream.linear.scatter [tilespmem:s12], [sflag:$0x5], $0x80, $0x38;
	[tilespmem:$0x12800] =	vst v63  }
.Ltmp5:
0x1bf: {  	s12 =	sadd.s32 $0xE6A8, s0;
	s30 =	sadd.s32 $0x50, s29;
	(pc) =	sbr.rel @p0 .LBB2_13-.Ltmp5, $4  }
0x1c0: {  	[hbm4b:s30+s3] =	stream.linear.scatter [tilespmem:s12], [sflag:$0x5], $0x80, $0x38;
	[tilespmem:$0x12800] =	vst v63  }
0x1c1: {  	s12 =	sadd.s32 $0xE730, s0;
	s30 =	sadd.s32 $0x60, s29;
	s0 =	sadd.s32 $0xE7B8, s0  }
0x1c2: {  	[hbm4b:s30+s3] =	stream.linear.scatter [tilespmem:s12], [sflag:$0x5], $0x80, $0x38;
	[tilespmem:$0x12800] =	vst v63  }
0x1c3: {  	s12 =	sadd.s32 $0x70, s29;
	s29 =	sadd.s32 $0x1000, s29;
	s30 =	smov.u32 s14  }
0x1c4: {  	[hbm4b:s12+s3] =	stream.linear.scatter [tilespmem:s0], [sflag:$0x5], $0x80, $0x38;
	[tilespmem:$0x12800] =	vst v63  }
0x1c5: {  	s12 =	sadd.s32 $0xE400, s1  }
0x1c6: {  	[hbm4b:s29+s3] =	stream.linear.scatter [tilespmem:s12], [sflag:$0x5], $0x80, $0x38;
	[tilespmem:$0x12800] =	vst v63  }
0x1c7: {  	s14 =	sadd.s32 $0xE488, s1;
	s31 =	sadd.s32 $0x10, s29  }
0x1c8: {  	[hbm4b:s31+s3] =	stream.linear.scatter [tilespmem:s14], [sflag:$0x5], $0x80, $0x38;
	[tilespmem:$0x12800] =	vst v63  }
0x1c9: {  	s14 =	sadd.s32 $0xE510, s1;
	s31 =	sadd.s32 $0x20, s29  }
0x1ca: {  	[hbm4b:s31+s3] =	stream.linear.scatter [tilespmem:s14], [sflag:$0x5], $0x80, $0x38;
	[tilespmem:$0x12800] =	vst v63  }
0x1cb: {  	s14 =	sadd.s32 $0xE598, s1;
	s31 =	sadd.s32 $0x30, s29  }
0x1cc: {  	[hbm4b:s31+s3] =	stream.linear.scatter [tilespmem:s14], [sflag:$0x5], $0x80, $0x38;
	[tilespmem:$0x12800] =	vst v63  }
0x1cd: {  	s0 =	sadd.s32 $0x6, s26;
	s14 =	sadd.s32 $0xE620, s1;
	s31 =	sadd.s32 $0x40, s29  }
0x1ce: {  	[hbm4b:s31+s3] =	stream.linear.scatter [tilespmem:s14], [sflag:$0x5], $0x80, $0x38;
	[tilespmem:$0x12800] =	vst v63  }
0x1cf: {  	s30 =	smulhi.u32 $0x51EB851F, s0;
	s12 =	sadd.s32 $0xE6A8, s1;
	s14 =	sadd.s32 $0x50, s29  }
0x1d0: {  	[hbm4b:s14+s3] =	stream.linear.scatter [tilespmem:s12], [sflag:$0x5], $0x80, $0x38;
	[tilespmem:$0x12800] =	vst v63  }
0x1d1: {  	s12 =	sshrl.u32 s30, $0x6  }
0x1d2: {  	s31 =	sadd.s32 $0xE730, s1;
	s14 =	sadd.s32 $0x60, s29;
	s12 =	smul.u32 $0xC8, s12  }
0x1d3: {  	[hbm4b:s14+s3] =	stream.linear.scatter [tilespmem:s31], [sflag:$0x5], $0x80, $0x38;
	[tilespmem:$0x12800] =	vst v63  }
0x1d4: {  	s14 =	sadd.s32 $0xE7B8, s1;
	s31 =	sadd.s32 $0x70, s29;
	s0 =	ssub.s32 s0, s12  }
0x1d5: {  	[hbm4b:s31+s3] =	stream.linear.scatter [tilespmem:s14], [sflag:$0x5], $0x80, $0x38;
	[tilespmem:$0x12800] =	vst v63  }
0x1d6: {  	s0 =	sshll.u32 s0, $0x7  }
0x1d7: {  	[tilespmem:s13], [sflag:$0x3] =	stream.indirect.gather [hbm4b:s4+s9], $0x40, s0, s9, $0xb8;
	[tilespmem:$0x12800] =	vst v63  }
0x1d8: {  	_ =	swait.ge [sflag:s22], $0x2000  }
0x1d9: {  	[sflag:s22] =	ssyncset.done $0x0  }
0x1da: {  	[sflag:s22] =	ssyncadd.s32 $0xFFFFE000  }
0x1db: {  	_ =	swait.ge [sflag:s23], $0x2000  }
0x1dc: {  	[sflag:s23] =	ssyncset.done $0x0  }
0x1dd: {  	s1 =	simm.s32 $0x0;
	s29 =	simm.s32 $0xC480;
	[sflag:s23] =	ssyncadd.s32 $0xFFFFE000  }
0x1de: {  	v4 =	vmov s1;
	v5 =	vld [tilespmem:s29+$0xFFFFFF80]  }
0x1df: {  	v4 =	vand.u32 $0x7C, v4;
	v6 =	vld [tilespmem:s29+$0xFFFFFF90]  }
0x1e0: {  	v8 =	vadd.s32 v0, v4;
	v7 =	vld [tilespmem:s29+$0xFFFFFFA0]  }
0x1e1: {  	v10 =	vadd.s32 v1, v4;
	v9 =	vld [tilespmem:s29+$0xFFFFFFB0]  }
0x1e2: {  	v11 =	vadd.s32 v2, v4  }
0x1e3: {  	v4 =	vadd.s32 v3, v4;
	v5 =	vmul.f32 $8.000000000e+00, v5  }
0x1e4: {  	v6 =	vmul.f32 $8.000000000e+00, v6  }
0x1e5: {  	v7 =	vmul.f32 $8.000000000e+00, v7;
	[tilespmem:v8+s19+$0x0] =	vst.idx.msk $0xffff, v5  }
0x1e6: {  	v5 =	vmul.f32 $8.000000000e+00, v9;
	[tilespmem:v10+s19+$0x0] =	vst.idx.msk $0xffff, v6  }
0x1e7: {  	[tilespmem:v11+s19+$0x0] =	vst.idx.msk $0xffff, v7  }
0x1e8: {  	s12 =	simm.s32 $0x1;
	[tilespmem:v4+s19+$0x0] =	vst.idx.msk $0xffff, v5  }
0x1e9: {  	v4 =	vmov s12;
	v5 =	vld [tilespmem:s29+$0xFFFFFFC0]  }
0x1ea: {  	v6 =	vld [tilespmem:s29+$0xFFFFFFD0];
	v4 =	vand.u32 $0x7D, v4  }
0x1eb: {  	v7 =	vld [tilespmem:s29+$0xFFFFFFE0];
	v53 =	vadd.s32 v0, v4  }
0x1ec: {  	v54 =	vld [tilespmem:s29+$0xFFFFFFF0];
	v55 =	vadd.s32 v1, v4  }
0x1ed: {  	v56 =	vadd.s32 v2, v4  }
0x1ee: {  	v4 =	vadd.s32 v3, v4;
	v5 =	vmul.f32 $8.000000000e+00, v5  }
0x1ef: {  	v6 =	vmul.f32 $8.000000000e+00, v6  }
0x1f0: {  	v7 =	vmul.f32 $8.000000000e+00, v7;
	[tilespmem:v53+s19+$0x0] =	vst.idx.msk $0xffff, v5  }
0x1f1: {  	v5 =	vmul.f32 $8.000000000e+00, v54;
	[tilespmem:v55+s19+$0x0] =	vst.idx.msk $0xffff, v6  }
0x1f2: {  	[tilespmem:v56+s19+$0x0] =	vst.idx.msk $0xffff, v7  }
0x1f3: {  	s14 =	simm.s32 $0x2;
	[tilespmem:v4+s19+$0x0] =	vst.idx.msk $0xffff, v5  }
0x1f4: {  	v4 =	vmov s14;
	v5 =	vld [tilespmem:s29+$0x0]  }
0x1f5: {  	v6 =	vld [tilespmem:s29+$0x10];
	v4 =	vand.u32 $0x7E, v4  }
0x1f6: {  	v7 =	vld [tilespmem:s29+$0x20];
	v57 =	vadd.s32 v0, v4  }
0x1f7: {  	v58 =	vld [tilespmem:s29+$0x30];
	v59 =	vadd.s32 v1, v4  }
0x1f8: {  	v60 =	vadd.s32 v2, v4  }
0x1f9: {  	v4 =	vadd.s32 v3, v4;
	v5 =	vmul.f32 $8.000000000e+00, v5  }
0x1fa: {  	v6 =	vmul.f32 $8.000000000e+00, v6  }
0x1fb: {  	v7 =	vmul.f32 $8.000000000e+00, v7;
	[tilespmem:v57+s19+$0x0] =	vst.idx.msk $0xffff, v5  }
0x1fc: {  	v5 =	vmul.f32 $8.000000000e+00, v58;
	[tilespmem:v59+s19+$0x0] =	vst.idx.msk $0xffff, v6  }
0x1fd: {  	[tilespmem:v60+s19+$0x0] =	vst.idx.msk $0xffff, v7  }
0x1fe: {  	s31 =	simm.s32 $0x3;
	[tilespmem:v4+s19+$0x0] =	vst.idx.msk $0xffff, v5  }
0x1ff: {  	v4 =	vmov s31;
	v5 =	vld [tilespmem:s29+$0x40]  }
0x200: {  	v6 =	vld [tilespmem:s29+$0x50];
	v4 =	vand.u32 $0x7F, v4  }
0x201: {  	v7 =	vld [tilespmem:s29+$0x60];
	v61 =	vadd.s32 v0, v4  }
0x202: {  	v62 =	vadd.s32 v1, v4  }
0x203: {  	v10 =	vld [tilespmem:s29+$0x70];
	v63 =	vadd.s32 v2, v4  }
0x204: {  	v5 =	vmul.f32 $8.000000000e+00, v5  }
0x205: {  	v4 =	vadd.s32 v3, v4;
	v6 =	vmul.f32 $8.000000000e+00, v6  }
0x206: {  	v7 =	vmul.f32 $8.000000000e+00, v7;
	[tilespmem:v61+s19+$0x0] =	vst.idx.msk $0xffff, v5  }
0x207: {  	[tilespmem:v62+s19+$0x0] =	vst.idx.msk $0xffff, v6  }
0x208: {  	s30 =	simm.s32 $0x4;
	v5 =	vmul.f32 $8.000000000e+00, v10;
	[tilespmem:v63+s19+$0x0] =	vst.idx.msk $0xffff, v7  }
.LBB2_15:
0x209: {  	p0 =	sne.s32 s30, $0x7C  }
0x20a: {  	[tilespmem:v4+s19+$0x0] =	vst.idx.msk $0xffff, v5;
	s29 =	sadd.s32 $0x100, s29;
	s1 =	smov.u32 s30;
	s30 =	sadd.s32 $0x4, s30  }
0x20b: {  	v4 =	vmov s1;
	v5 =	vld [tilespmem:s29+$0xFFFFFF80]  }
0x20c: {  	v6 =	vld [tilespmem:s29+$0xFFFFFF90];
	v4 =	vand.u32 $0x7C, v4  }
0x20d: {  	v7 =	vld [tilespmem:s29+$0xFFFFFFA0];
	v8 =	vadd.s32 v0, v4  }
0x20e: {  	v10 =	vadd.s32 v1, v4;
	v9 =	vld [tilespmem:s29+$0xFFFFFFB0]  }
0x20f: {  	v11 =	vadd.s32 v2, v4  }
0x210: {  	v4 =	vadd.s32 v3, v4;
	v5 =	vmul.f32 $8.000000000e+00, v5  }
0x211: {  	v6 =	vmul.f32 $8.000000000e+00, v6  }
0x212: {  	v7 =	vmul.f32 $8.000000000e+00, v7;
	[tilespmem:v8+s19+$0x0] =	vst.idx.msk $0xffff, v5  }
0x213: {  	v5 =	vmul.f32 $8.000000000e+00, v9;
	[tilespmem:v10+s19+$0x0] =	vst.idx.msk $0xffff, v6  }
0x214: {  	[tilespmem:v11+s19+$0x0] =	vst.idx.msk $0xffff, v7  }
0x215: {  	s0 =	sadd.s32 $0x1, s1;
	[tilespmem:v4+s19+$0x0] =	vst.idx.msk $0xffff, v5  }
0x216: {  	v4 =	vmov s0;
	v5 =	vld [tilespmem:s29+$0xFFFFFFC0]  }
0x217: {  	v4 =	vand.u32 $0x7D, v4;
	v6 =	vld [tilespmem:s29+$0xFFFFFFD0]  }
0x218: {  	v8 =	vadd.s32 v0, v4;
	v7 =	vld [tilespmem:s29+$0xFFFFFFE0]  }
0x219: {  	v10 =	vadd.s32 v1, v4;
	v9 =	vld [tilespmem:s29+$0xFFFFFFF0]  }
0x21a: {  	v11 =	vadd.s32 v2, v4  }
0x21b: {  	v4 =	vadd.s32 v3, v4;
	v5 =	vmul.f32 $8.000000000e+00, v5  }
0x21c: {  	v6 =	vmul.f32 $8.000000000e+00, v6  }
0x21d: {  	v7 =	vmul.f32 $8.000000000e+00, v7;
	[tilespmem:v8+s19+$0x0] =	vst.idx.msk $0xffff, v5  }
0x21e: {  	v5 =	vmul.f32 $8.000000000e+00, v9;
	[tilespmem:v10+s19+$0x0] =	vst.idx.msk $0xffff, v6  }
0x21f: {  	[tilespmem:v11+s19+$0x0] =	vst.idx.msk $0xffff, v7  }
0x220: {  	s0 =	sadd.s32 $0x2, s1;
	[tilespmem:v4+s19+$0x0] =	vst.idx.msk $0xffff, v5  }
0x221: {  	v4 =	vmov s0;
	v5 =	vld [tilespmem:s29+$0x0]  }
0x222: {  	v4 =	vand.u32 $0x7E, v4;
	v6 =	vld [tilespmem:s29+$0x10]  }
0x223: {  	v8 =	vadd.s32 v0, v4;
	v7 =	vld [tilespmem:s29+$0x20]  }
0x224: {  	v10 =	vadd.s32 v1, v4;
	v9 =	vld [tilespmem:s29+$0x30]  }
0x225: {  	v11 =	vadd.s32 v2, v4  }
0x226: {  	v4 =	vadd.s32 v3, v4;
	v5 =	vmul.f32 $8.000000000e+00, v5  }
0x227: {  	v6 =	vmul.f32 $8.000000000e+00, v6  }
0x228: {  	v7 =	vmul.f32 $8.000000000e+00, v7;
	[tilespmem:v8+s19+$0x0] =	vst.idx.msk $0xffff, v5  }
0x229: {  	v5 =	vmul.f32 $8.000000000e+00, v9;
	[tilespmem:v10+s19+$0x0] =	vst.idx.msk $0xffff, v6  }
0x22a: {  	[tilespmem:v11+s19+$0x0] =	vst.idx.msk $0xffff, v7  }
0x22b: {  	s0 =	sadd.s32 $0x3, s1;
	[tilespmem:v4+s19+$0x0] =	vst.idx.msk $0xffff, v5  }
0x22c: {  	v4 =	vmov s0;
	v5 =	vld [tilespmem:s29+$0x40]  }
0x22d: {  	v4 =	vand.u32 $0x7F, v4;
	v6 =	vld [tilespmem:s29+$0x50]  }
0x22e: {  	v8 =	vadd.s32 v0, v4;
	v7 =	vld [tilespmem:s29+$0x60]  }
0x22f: {  	v10 =	vadd.s32 v1, v4;
	v9 =	vld [tilespmem:s29+$0x70]  }
0x230: {  	v11 =	vadd.s32 v2, v4  }
.Ltmp6:
0x231: {  	v4 =	vadd.s32 v3, v4;
	v5 =	vmul.f32 $8.000000000e+00, v5;
	(pc) =	sbr.rel @p0 .LBB2_15-.Ltmp6, $4  }
0x232: {  	v6 =	vmul.f32 $8.000000000e+00, v6  }
0x233: {  	v7 =	vmul.f32 $8.000000000e+00, v7;
	[tilespmem:v8+s19+$0x0] =	vst.idx.msk $0xffff, v5  }
0x234: {  	v5 =	vmul.f32 $8.000000000e+00, v9;
	[tilespmem:v10+s19+$0x0] =	vst.idx.msk $0xffff, v6  }
0x235: {  	[tilespmem:v11+s19+$0x0] =	vst.idx.msk $0xffff, v7  }
0x236: {  	_ =	sdelay $0x3  }
0x237: {  	[tilespmem:v4+s19+$0x0] =	vst.idx.msk $0xffff, v5;
	s14 =	sadd.s32 $0x180, s28;
	s0 =	simm.s32 $0x10600  }
0x238: {  	[hbm4b:s14+s3] =	stream.linear.scatter [tilespmem:s0], [sflag:$0x6], $0x80, $0x38;
	[tilespmem:$0x12800] =	vst v63  }
0x239: {  	s12 =	simm.s32 $0x10688;
	s1 =	sadd.s32 $0x10, s14  }
0x23a: {  	[hbm4b:s1+s3] =	stream.linear.scatter [tilespmem:s12], [sflag:$0x6], $0x80, $0x38;
	[tilespmem:$0x12800] =	vst v63  }
0x23b: {  	s30 =	simm.s32 $0x10710;
	s29 =	simm.s32 $0x2200;
	s31 =	sadd.s32 $0x20, s14  }
0x23c: {  	[hbm4b:s31+s3] =	stream.linear.scatter [tilespmem:s30], [sflag:$0x6], $0x80, $0x38;
	[tilespmem:$0x12800] =	vst v63  }
0x23d: {  	s0 =	simm.s32 $0x109B8;
	s1 =	simm.s32 $0x10798;
	s12 =	sadd.s32 $0x30, s14  }
0x23e: {  	[hbm4b:s12+s3] =	stream.linear.scatter [tilespmem:s1], [sflag:$0x6], $0x80, $0x38;
	[tilespmem:$0x12800] =	vst v63  }
0x23f: {  	s28 =	sadd.s32 $0x1000, s14;
	s30 =	simm.s32 $0x10820;
	s31 =	sadd.s32 $0x40, s14  }
0x240: {  	[hbm4b:s31+s3] =	stream.linear.scatter [tilespmem:s30], [sflag:$0x6], $0x80, $0x38;
	[tilespmem:$0x12800] =	vst v63  }
0x241: {  	s1 =	simm.s32 $0x108A8;
	s12 =	sadd.s32 $0x50, s14;
	s30 =	simm.s32 $0x10930  }
0x242: {  	[hbm4b:s12+s3] =	stream.linear.scatter [tilespmem:s1], [sflag:$0x6], $0x80, $0x38;
	[tilespmem:$0x12800] =	vst v63  }
0x243: {  	s31 =	sadd.s32 $0x60, s14;
	s1 =	simm.s32 $0x440;
	s12 =	sadd.s32 $0x70, s14  }
0x244: {  	[hbm4b:s31+s3] =	stream.linear.scatter [tilespmem:s30], [sflag:$0x6], $0x80, $0x38;
	[tilespmem:$0x12800] =	vst v63  }
.LBB2_17:
0x245: {  	[hbm4b:s12+s3] =	stream.linear.scatter [tilespmem:s0], [sflag:$0x6], $0x80, $0x38;
	[tilespmem:$0x12800] =	vst v63  }
0x246: {  	s0 =	smov.u32 s1;
	s1 =	smov.u32 s29  }
0x247: {  	s14 =	sadd.s32 $0x1100, s29;
	s1 =	sshra.s32 s1, $0x2;
	s12 =	sadd.s32 $0x10600, s0  }
0x248: {  	[hbm4b:s28+s3] =	stream.linear.scatter [tilespmem:s12], [sflag:$0x6], $0x80, $0x38;
	[tilespmem:$0x12800] =	vst v63  }
0x249: {  	p0 =	sne.s32 s29, $0x7700;
	s29 =	sadd.s32 $0x10, s28;
	s12 =	sadd.s32 $0x10688, s0  }
0x24a: {  	[hbm4b:s29+s3] =	stream.linear.scatter [tilespmem:s12], [sflag:$0x6], $0x80, $0x38;
	[tilespmem:$0x12800] =	vst v63  }
0x24b: {  	s12 =	sadd.s32 $0x10710, s0;
	s29 =	sadd.s32 $0x20, s28  }
0x24c: {  	[hbm4b:s29+s3] =	stream.linear.scatter [tilespmem:s12], [sflag:$0x6], $0x80, $0x38;
	[tilespmem:$0x12800] =	vst v63  }
0x24d: {  	s12 =	sadd.s32 $0x10798, s0;
	s29 =	sadd.s32 $0x30, s28  }
0x24e: {  	[hbm4b:s29+s3] =	stream.linear.scatter [tilespmem:s12], [sflag:$0x6], $0x80, $0x38;
	[tilespmem:$0x12800] =	vst v63  }
0x24f: {  	s12 =	sadd.s32 $0x10820, s0;
	s29 =	sadd.s32 $0x40, s28  }
0x250: {  	[hbm4b:s29+s3] =	stream.linear.scatter [tilespmem:s12], [sflag:$0x6], $0x80, $0x38;
	[tilespmem:$0x12800] =	vst v63  }
.Ltmp7:
0x251: {  	s12 =	sadd.s32 $0x108A8, s0;
	s29 =	sadd.s32 $0x50, s28;
	(pc) =	sbr.rel @p0 .LBB2_17-.Ltmp7, $4  }
0x252: {  	[hbm4b:s29+s3] =	stream.linear.scatter [tilespmem:s12], [sflag:$0x6], $0x80, $0x38;
	[tilespmem:$0x12800] =	vst v63  }
0x253: {  	s12 =	sadd.s32 $0x10930, s0;
	s29 =	sadd.s32 $0x60, s28;
	s0 =	sadd.s32 $0x109B8, s0  }
0x254: {  	[hbm4b:s29+s3] =	stream.linear.scatter [tilespmem:s12], [sflag:$0x6], $0x80, $0x38;
	[tilespmem:$0x12800] =	vst v63  }
0x255: {  	s12 =	sadd.s32 $0x70, s28;
	s28 =	sadd.s32 $0x1000, s28;
	s29 =	smov.u32 s14  }
0x256: {  	[hbm4b:s12+s3] =	stream.linear.scatter [tilespmem:s0], [sflag:$0x6], $0x80, $0x38;
	[tilespmem:$0x12800] =	vst v63  }
0x257: {  	s29 =	sadd.s32 $0x10600, s1  }
0x258: {  	[hbm4b:s28+s3] =	stream.linear.scatter [tilespmem:s29], [sflag:$0x6], $0x80, $0x38;
	[tilespmem:$0x12800] =	vst v63  }
0x259: {  	s30 =	sadd.s32 $0x10688, s1;
	s31 =	sadd.s32 $0x10, s28  }
0x25a: {  	[hbm4b:s31+s3] =	stream.linear.scatter [tilespmem:s30], [sflag:$0x6], $0x80, $0x38;
	[tilespmem:$0x12800] =	vst v63  }
0x25b: {  	s14 =	sadd.s32 $0x10710, s1;
	s29 =	sadd.s32 $0x20, s28  }
0x25c: {  	[hbm4b:s29+s3] =	stream.linear.scatter [tilespmem:s14], [sflag:$0x6], $0x80, $0x38;
	[tilespmem:$0x12800] =	vst v63  }
0x25d: {  	s12 =	sadd.s32 $0x10820, s1;
	s30 =	sadd.s32 $0x10798, s1;
	s31 =	sadd.s32 $0x30, s28  }
0x25e: {  	[hbm4b:s31+s3] =	stream.linear.scatter [tilespmem:s30], [sflag:$0x6], $0x80, $0x38;
	[tilespmem:$0x12800] =	vst v63  }
0x25f: {  	s0 =	sadd.s32 $0x7, s26;
	s25 =	sadd.s32 $0x1, s25;
	s14 =	sadd.s32 $0x40, s28  }
0x260: {  	[hbm4b:s14+s3] =	stream.linear.scatter [tilespmem:s12], [sflag:$0x6], $0x80, $0x38;
	[tilespmem:$0x12800] =	vst v63  }
0x261: {  	s26 =	smulhi.u32 $0x51EB851F, s0;
	s29 =	sadd.s32 $0x108A8, s1;
	s30 =	sadd.s32 $0x50, s28  }
0x262: {  	[hbm4b:s30+s3] =	stream.linear.scatter [tilespmem:s29], [sflag:$0x6], $0x80, $0x38;
	[tilespmem:$0x12800] =	vst v63  }
0x263: {  	p0 =	sne.s32 s25, $0x32;
	s29 =	sshrl.u32 s26, $0x6  }
0x264: {  	s31 =	sadd.s32 $0x10930, s1;
	s14 =	sadd.s32 $0x60, s28;
	s12 =	smul.u32 $0xC8, s29  }
0x265: {  	[hbm4b:s14+s3] =	stream.linear.scatter [tilespmem:s31], [sflag:$0x6], $0x80, $0x38;
	[tilespmem:$0x12800] =	vst v63  }
.Ltmp8:
0x266: {  	_ = 	snop;
	(pc) =	sbr.rel @p0 .LBB2_2-.Ltmp8, $4  }
0x267: {  	s30 =	sadd.s32 $0x109B8, s1;
	s31 =	sadd.s32 $0x70, s28;
	s0 =	ssub.s32 s0, s12  }
0x268: {  	[hbm4b:s31+s3] =	stream.linear.scatter [tilespmem:s30], [sflag:$0x6], $0x80, $0x38;
	[tilespmem:$0x12800] =	vst v63  }
0x269: {  	s0 =	sshll.u32 s0, $0x7  }
0x26a: {  	[tilespmem:s15], [sflag:$0x4] =	stream.indirect.gather [hbm4b:s4+s9], $0x40, s0, s9, $0xb8;
	[tilespmem:$0x12800] =	vst v63  }
0x26b: {  	_ =	swait.ge [sflag:s16], $0x2000  }
0x26c: {  	[sflag:s16] =	ssyncset.done $0x0  }
0x26d: {  	[sflag:s16] =	ssyncadd.s32 $0xFFFFE000  }
0x26e: {  	_ =	swait.ge [sflag:s18], $0x2000  }
0x26f: {  	[sflag:s18] =	ssyncset.done $0x0  }
0x270: {  	[sflag:s18] =	ssyncadd.s32 $0xFFFFE000  }
0x271: {  	_ =	swait.ge [sflag:s20], $0x2000  }
0x272: {  	[sflag:s20] =	ssyncset.done $0x0  }
0x273: {  	[sflag:s20] =	ssyncadd.s32 $0xFFFFE000  }
0x274: {  	_ =	swait.ge [sflag:s22], $0x2000  }
0x275: {  	[sflag:s22] =	ssyncset.done $0x0  }
0x276: {  	s24 =	sadd.s32 $0x1, s24;
	[sflag:s22] =	ssyncadd.s32 $0xFFFFE000  }
0x277: {  	p0 =	sne.s32 s24, s7;
	_ =	swait.ge [sflag:s21], $0x2000  }
.Ltmp9:
0x278: {  	[sflag:s21] =	ssyncset.done $0x0;
	(pc) =	sbr.rel @p0 .LBB2_1-.Ltmp9, $4  }
0x279: {  	[sflag:s21] =	ssyncadd.s32 $0xFFFFE000  }
0x27a: {  	_ =	swait.ge [sflag:s23], $0x2000  }
0x27b: {  	[sflag:s23] =	ssyncset.done $0x0  }
0x27c: {  	[sflag:s23] =	ssyncadd.s32 $0xFFFFE000  }
0x27d: {  	_ =	sfence.sel $0x180000  }
0x27e: {  	[bflag:$0x0] =	sbarrier.arrive $0xFFFF  }
0x27f: {  	_ =	strace $0x9000004A  }
0x280: {  	s0 =	stileid.u32;
	[bflag:$0x2] =	sbarrier.arrive $0xFFFF  }
0x281: {  	p0 =	sne.s32 s0, $0x0;
	s0 =	rddreg [dreg:$0x2]  }
0x282: {  	s0 =	sadd.s32 @!p0 $0x100000, s0  }
0x283: {  	[sflag:s0] =	ssyncadd.tile.s32 @!p0 $0x1;
	_ =	shalt  }
.Lfunc_end2:
_tile_overlayer_lowered:
.L_overlay_start_2:
0x284: {  	(tag) =	ssettag $0x2  }
0x285: {  	s0 =	rddreg [dreg:$0x0];
	s2 =	stileid.u32  }
0x286: {  	s1 =	rddreg [dreg:$0x1];
	p0 =	sne.s32 s2, $0x0  }
0x287: {  	s3 =	rddreg [dreg:$0x2];
	[bflag:$0x3] =	sbarrier.arrive $0xFFFF;
	s2 =	simm.s32 @!p0 $0x1C07  }
0x288: {  	[timem:s3], [sflag:s2] =	dma.local @!p0 [hbm:s0], s1  }
0x289: {  	s0 =	simm.s32 @!p0 $0x7  }
0x28a: {  	_ =	swait.ge @!p0 [sflag:s0], s1  }
0x28b: {  	s1 =	ssub.s32 @!p0 $0x0, s1;
	[sflag:s0] =	ssyncset.done @!p0 $0x0  }
0x28c: {  	[sflag:s0] =	ssyncadd.s32 @!p0 s1  }
0x28d: {  	[bflag:$0x3] =	sbarrier.arrive $0xFFFF  }
0x28e: {  	_ =	shalt  }

// kernel: sparse-core-data-format-call.cloned.1.call-start
scs
called_computation_lowered:
.L_overlay_start_0:
0x0: {  	s2 =	sld [smem:$0x3FD9]  }
0x1: {  	s3 =	sld [smem:$0x3FFE];
	_ =	sdelay $0x1  }
0x2: {  	s1 =	srdreg.scid  }
0x3: {  	s0 =	sand.u32 $0x1, s1  }
0x4: {  	s18 =	sshll.u32 s0, $0xA;
	s2 =	sadd.s32 s3, s2  }
0x5: {  	s2 =	sadd.s32 s2, s18  }
0x6: {  	[smem:$0x3FC6] =	sst s2  }
0x7: {  	_ = 	snop  }
0x8: {  	s2 =	sld [smem:$0x3FC8];
	(tm) =	ssettm $0x1  }
0x9: {  	s19 =	sld [smem:$0x3FFB];
	_ =	sdelay $0x3  }
0xa: {  	_ =	strace s19  }
0xb: {  	s3 =	sld [smem:$0x3FFC];
	_ =	sdelay $0x3  }
0xc: {  	_ =	strace s3  }
0xd: {  	s3 =	sld [smem:$0x3FFD];
	_ =	sdelay $0x3  }
0xe: {  	_ =	strace s3  }
0xf: {  	_ =	strace $0x8FFFFFFF  }
0x10: {  	s20 =	sld [smem:$0x3FDB];
	_ =	sdelay $0x1  }
0x11: {  	s4 =	simm.s32 $_scs_section_size  }
0x12: {  	s5 =	simm.s32 $_size__tile_overlayer_lowered;
	s6 =	simm.s32 $_tile_overlayer_lowered  }
0x13: {  	s23 =	simm.s32 $0x1BFF;
	s22 =	sshll.u32 s6, $0x1;
	s3 =	sadd.s32 s4, s20  }
0x14: {  	s7 =	simm.s32 $0x0;
	s21 =	sshll.u32 s5, $0x1;
	s5 =	sadd.s32 s22, s3  }
0x15: {  	[timem:s7], [sflag:s23] =	dma.local [hbm:s5], s21  }
0x16: {  	_ =	swait.ge [sflag:s23], s21  }
0x17: {  	s4 =	ssub.s32 $0x0, s21;
	[sflag:s23] =	ssyncset.done $0x0  }
0x18: {  	[sflag:s23] =	ssyncadd.s32 s4;
	_ =	sdelay $0x1  }
0x19: {  	s24 =	simm.s32 $0x1B8B  }
0x1a: {  	_ =	swait.ge [sflag:s24], $0x1  }
0x1b: {  	[sflag:s24] =	ssyncset.done $0x0  }
0x1c: {  	s26 =	simm.s32 $0x1B8E;
	s25 =	sld [smem:$0x3FFE];
	[sflag:s24] =	ssyncadd.s32 $0xFFFFFFFF  }
0x1d: {  	s27 =	simm.s32 $execute0_lowered;
	[smem:$0x3FD2] =	sst s26  }
0x1e: {  	s5 =	sshll.u32 s27, $0x1;
	_ =	strace $0x80000046;
	[dreg:$0x1] =	wrdreg $0xFFFFFFFF  }
0x1f: {  	s28 =	simm.s32 $_size_execute0_lowered;
	s3 =	sadd.s32 s3, s5;
	[dreg:$0x0] =	wrdreg $0x0  }
0x20: {  	s5 =	sshll.u32 s28, $0x1;
	[dreg:$0x2] =	wrdreg s3  }
0x21: {  	[dreg:$0x3] =	wrdreg s5  }
0x22: {  	[dreg:$0x4] =	wrdreg $0xC0  }
0x23: {  	_ =	task [dreg:s7], $0x5FFFF  }
0x24: {  	[dreg:$0x1] =	wrdreg $0xFFFFFFFF  }
0x25: {  	[dreg:$0x0] =	wrdreg $0x60  }
0x26: {  	[dreg:$0x2] =	wrdreg s2  }
0x27: {  	[dreg:$0x3] =	wrdreg s25  }
0x28: {  	[dreg:$0x4] =	wrdreg $0x9  }
0x29: {  	_ =	task.clear_ibuf [dreg:s7], $0x5FFFF;
	_ =	strace $0x90000046  }
0x2a: {  	s29 =	simm.s32 $0x9;
	_ =	strace $0x80000048  }
0x2b: {  	_ =	swait.ge [sflag:s29], $0x1  }
0x2c: {  	[sflag:s29] =	ssyncadd.s32 $0xFFFFFFFF  }
0x2d: {  	_ =	strace $0x90000048  }
0x2e: {  	_ =	sfence  }
0x2f: {  	s30 =	sld [smem:$0x0];
	_ =	sdelay $0x2  }
0x30: {  	s31 =	sshll.u32 s1, $0xD;
	s1 =	sshrl.u32 s1, $0x2  }
0x31: {  	s3 =	sand.u32 $0x4000, s31;
	s1 =	sadd.s32 s1, s30  }
0x32: {  	s0 =	sor.u32 s3, s0;
	s1 =	sshll.u32 s1, $0x11  }
0x33: {  	s0 =	sor.u32 s1, s0  }
0x34: {  	s0 =	sadd.s32 $0x8F2B, s0  }
0x35: {  	[sflag:s0] =	ssyncadd.remote.s32 $0x1  }
0x36: {  	_ =	sfence.sel $0xFFFF  }
0x37: {  	[dreg:$0x0] =	wrdreg $0xFFFFFFFF;
	(pc) =	sbr.abs _section_cstart, $3  }
0x38: {  	[dreg:$0x1] =	wrdreg $0xFFFFFFFF  }
0x39: {  	_ =	task.clear_ibuf [dreg:s7], $0x2FFFF;
	_ =	strace $0x9FFFFFFF  }
0x3a: {  	(tm) =	ssettm $0x7FFFFFFF  }
0x3b: {  	_ =	shalt  }
tec
execute0_lowered:
.L_overlay_start_1:
0x0: {  	(tag) =	ssettag $0x1  }
0x1: {  	s0 =	srdreg.scid;
	s2 =	rddreg [dreg:$0x0]  }
0x2: {  	s5 =	rddreg [dreg:$0x1];
	s1 =	stileid.u32  }
0x3: {  	s4 =	simm.s32 $0x1;
	s6 =	simm.s32 $0x2;
	s15 =	simm.s32 $0x0  }
0x4: {  	p0 =	por $0x0, $0x0;
	s8 =	simm.s32 $0x80;
	s0 =	sshll.u32 s0, $0x4  }
0x5: {  	s14 =	simm.s32 $0x0;
	s9 =	simm.s32 $0x0;
	s3 =	sand.u32 $0x10, s0  }
.Ltmp0:
0x6: {  	s10 =	simm.s32 $0x0;
	s3 =	sor.u32 s1, s3;
	(pc) =	sbr.rel .LBB1_1-.Ltmp0, $4  }
0x7: {  	s0 =	rddreg [dreg:$0x2];
	_ =	strace $0x80000047;
	s3 =	sshll.u32 s3, $0x7  }
0x8: {  	s12 =	simm.s32 $0x0;
	[sflag:s4] =	ssyncpa.u1 $0x0;
	s7 =	ssub.s32 $0xF4200, s3  }
0x9: {  	s13 =	simm.s32 $0x0;
	[sflag:s6] =	ssyncpa.u1 $0x0;
	s6 =	sshrl.u32 s7, $0xC  }
0xa: {  	s5 =	sadd.s32 $0xA00, s5;
	s11 =	smov.u32 s3;
	s7 =	sadd.s32 $0x2, s6  }
.LBB1_5:
0xb: {  	p1 =	slt.u32 s13, $0x2  }
0xc: {  	s17 =	smov.u32 s15;
	p2 =	sgt.s32 @!p1 s15, $0xF41C0;
	s16 =	sshra.s32 @!p1 s15, $0x1F  }
0xd: {  	p3 =	sgt.s32 @!p1 s14, $0x40;
	s18 =	sshra.s32 @!p1 s14, $0x1F;
	p2 =	por !p2, p1  }
0xe: {  	s15 =	sand.u32 @!p1 s16, s15;
	p3 =	por !p3, p1;
	s16 =	smov.u32 s14  }
0xf: {  	s14 =	sand.u32 @!p1 s18, s14;
	s17 =	simm.s32 @p2 $0xF41C0;
	s16 =	simm.s32 @p3 $0x40  }
0x10: {  	s15 =	ssub.s32 @!p1 s17, s15;
	s14 =	ssub.s32 @!p1 s16, s14  }
0x11: {  	s18 =	smov.u32 s12;
	s16 =	sadd.s32 @!p1 $0xFFF0BE40, s15;
	s17 =	sadd.s32 @!p1 $0xFFFFFFC0, s14  }
0x12: {  	s15 =	ssub.s32 @!p1 $0xF4240, s15;
	p2 =	sgt.s32 @!p1 s16, $0x7F;
	p3 =	sgt.s32 @!p1 s17, $0x3F  }
0x13: {  	s14 =	ssub.s32 @!p1 $0x80, s14;
	p2 =	por !p2, p1;
	p3 =	por !p3, p1  }
0x14: {  	s16 =	sadd.s32 $0x1000, s11;
	s15 =	simm.s32 @!p2 $0x0;
	s14 =	simm.s32 @!p3 $0x0  }
0x15: {  	p2 =	sgt.s32 s16, $0xF423F;
	s14 =	smul.u32 @!p1 s14, s15;
	s15 =	sadd.s32 $0x40, s12  }
0x16: {  	s18 =	smov.u32 @p2 s15  }
0x17: {  	s16 =	smov.u32 @p2 s3;
	p2 =	sgt.s32 s18, $0x3F  }
0x18: {  	s18 =	simm.s32 @p2 $0x0;
	p2 =	sne.s32 s13, s7  }
.Ltmp1:
0x19: {  	p0 =	por !p0, !p0;
	s17 =	simm.s32 @!p1 $0x2;
	(pc) =	sbr.rel @!p2 .LBB1_6-.Ltmp1, $4  }
0x1a: {  	s15 =	smov.u32 s9;
	s9 =	smov.u32 s11;
	s14 =	sand.u32 @!p1 $0x3FFFFFFF, s14  }
0x1b: {  	s11 =	smov.u32 s16;
	_ =	swait.ge @!p1 [sflag:s17], s14;
	s19 =	ssub.s32 @!p1 $0x0, s14  }
0x1c: {  	s14 =	smov.u32 s10;
	s13 =	sadd.s32 $0x1, s13;
	[sflag:s17] =	ssyncset.done @!p1 $0x0  }
0x1d: {  	s10 =	smov.u32 s12;
	s12 =	smov.u32 s18;
	[sflag:s17] =	ssyncadd.s32 @!p1 s19  }
.LBB1_1:
0x1e: {  	p1 =	sgt.u32 s13, s6  }
0x1f: {  	s16 =	sshrl.u32 @!p1 s12, $0x3  }
0x20: {  	s17 =	sshll.u32 @!p1 s11, $0x3;
	s16 =	smul.u32 @!p1 $0x7A1400, s16  }
0x21: {  	s18 =	sshll.u32 @!p1 s12, $0x7;
	s17 =	sand.u32 @!p1 $0xFFFFFC00, s17  }
0x22: {  	s16 =	sadd.s32 @!p1 s16, s17;
	s17 =	sand.u32 @!p1 $0x380, s18  }
0x23: {  	s18 =	sand.u32 @!p1 $0x7F, s11;
	s16 =	sor.u32 @!p1 s17, s16  }
0x24: {  	s17 =	sor.u32 @!p1 s18, s16  }
0x25: {  	s18 =	smulhi.u32 @!p1 $0x218D6287, s17;
	_ =	sdelay $0x1  }
0x26: {  	s16 =	smulhi.u32 @!p1 $0x218D6287, s16;
	s18 =	sshrl.u32 @!p1 s18, $0x11  }
0x27: {  	s18 =	smul.u32 @!p1 $0xF4280, s18  }
0x28: {  	s19 =	sxor.u32 @!p1 $0xFFFFFFFF, s13;
	s16 =	sshrl.u32 @!p1 s16, $0x11  }
0x29: {  	s19 =	sshll.u32 @!p1 s19, $0xD;
	s16 =	sand.u32 @!p1 $0x3F, s16;
	s17 =	ssub.s32 @!p1 s17, s18  }
0x2a: {  	s16 =	smul.u32 @!p1 $0x1E850, s16;
	s18 =	sshrl.u32 @!p1 s17, $0x3;
	s17 =	sand.u32 @!p1 $0x7, s17  }
0x2b: {  	s19 =	sand.u32 @!p1 $0x2000, s19;
	s18 =	sadd.s32 @!p1 s2, s18;
	s17 =	sshll.u32 @!p1 s17, $0x12  }
0x2c: {  	s16 =	sadd.s32 @!p1 s16, s18;
	s17 =	sor.u32 @!p1 $0x400, s17;
	s18 =	simm.s32 @!p1 $0x7A1400  }
0x2d: {  	[tilespmem:s19], [sflag:$0x1] =	stream.strided.gather @!p1 [hbm4b:s16+s17], $0x2000, s18, s17, $0x38;
	[tilespmem:$0x8100] =	vst v63  }
0x2e: {  	p1 =	seq.s32 s13, $0x0  }
0x2f: {  	p2 =	sge.u32 @!p1 s13, s7  }
0x30: {  	p1 =	por p1, p2  }
.Ltmp2:
0x31: {  	_ = 	snop;
	(pc) =	sbr.rel @p1 .LBB1_5-.Ltmp2, $1  }
0x32: {  	_ =	sdelay $0x3  }
0x33: {  	s16 =	simm.s32 $0x1  }
0x34: {  	_ =	swait.ge [sflag:s4], $0x2000;
	s16 =	simm.s32 @!p0 $0x0  }
0x35: {  	[sflag:s4] =	ssyncset.done $0x0;
	s17 =	sshll.u32 s16, $0xD  }
0x36: {  	[sflag:s4] =	ssyncadd.s32 $0xFFFFE000;
	s17 =	sor.u32 $0x40, s17  }
0x37: {  	s16 =	smul.u32 $0x8200, s16;
	v0 =	vld [tilespmem:s17+$0x30]  }
0x38: {  	v1 =	vld [tilespmem:s17+$0xFFFFFFD0]  }
0x39: {  	s16 =	sshrl.u32 s16, $0x2;
	v5 =	vld [tilespmem:s17+$0xFFFFFFE0]  }
0x3a: {  	v6 =	vld [tilespmem:s17+$0xFFFFFFF0];
	s19 =	sor.u32 $0x4000, s16  }
0x3b: {  	s31 =	sand.u32 $0x1, s13;
	v4 =	vld [tilespmem:s17+$0x0];
	s18 =	sadd.s32 $0x0, s19  }
0x3c: {  	v3 =	vld [tilespmem:s17+$0x10];
	s16 =	smul.u32 $0x8200, s31;
	[tilespmem:s18+$0x1C70 ss:$0x41] =	vst.msk $0xffff, v0  }
0x3d: {  	v2 =	vld [tilespmem:s17+$0x20];
	[tilespmem:s18+$0x410 ss:$0x41] =	vst.msk $0xffff, v1  }
0x3e: {  	s16 =	sshrl.u32 s16, $0x2;
	v1 =	vld [tilespmem:s17+$0xFFFFFFC0];
	[tilespmem:s18+$0x820 ss:$0x41] =	vst.msk $0xffff, v5;
	s17 =	sadd.s32 $0x80, s17  }
0x3f: {  	s20 =	simm.s32 $0x4;
	s21 =	simm.s32 $0x8;
	s16 =	sor.u32 $0x4000, s16;
	[tilespmem:s18+$0xC30 ss:$0x41] =	vst.msk $0xffff, v6;
	v0 =	vld [tilespmem:s17+$0x30]  }
.LBB1_3:
0x40: {  	p1 =	sne.s32 s21, $0xFC;
	v5 =	vld [tilespmem:s17+$0xFFFFFFD0];
	[tilespmem:s18+$0x1040 ss:$0x41] =	vst.msk $0xffff, v4  }
0x41: {  	v6 =	vld [tilespmem:s17+$0xFFFFFFE0];
	[tilespmem:s18+$0x1450 ss:$0x41] =	vst.msk $0xffff, v3  }
0x42: {  	s22 =	sshra.s32 s20, $0x2;
	s20 =	smov.u32 s21;
	v7 =	vld [tilespmem:s17+$0xFFFFFFF0];
	[tilespmem:s18+$0x1860 ss:$0x41] =	vst.msk $0xffff, v2  }
.Ltmp3:
0x43: {  	v4 =	vld [tilespmem:s17+$0x0];
	[tilespmem:s18+$0x0 ss:$0x41] =	vst.msk $0xffff, v1;
	s18 =	sadd.s32 s22, s19;
	(pc) =	sbr.rel @p1 .LBB1_3-.Ltmp3, $4  }
0x44: {  	v3 =	vld [tilespmem:s17+$0x10];
	[tilespmem:s18+$0x1C70 ss:$0x41] =	vst.msk $0xffff, v0  }
0x45: {  	[tilespmem:s18+$0x410 ss:$0x41] =	vst.msk $0xffff, v5;
	v2 =	vld [tilespmem:s17+$0x20]  }
0x46: {  	v1 =	vld [tilespmem:s17+$0xFFFFFFC0];
	[tilespmem:s18+$0x820 ss:$0x41] =	vst.msk $0xffff, v6;
	s17 =	sadd.s32 $0x80, s17  }
0x47: {  	s21 =	sadd.s32 $0x4, s21;
	v0 =	vld [tilespmem:s17+$0x30];
	[tilespmem:s18+$0xC30 ss:$0x41] =	vst.msk $0xffff, v7  }
0x48: {  	s21 =	sshll.u32 s9, $0x7;
	s22 =	sshll.u32 s10, $0x3;
	s20 =	sshra.s32 s20, $0x2  }
0x49: {  	p1 =	sgt.s32 s9, $0xF41C0;
	s30 =	sshra.s32 s9, $0x1F;
	s25 =	sshra.s32 s10, $0x1F  }
0x4a: {  	v5 =	vld [tilespmem:s17+$0xFFFFFFD0];
	s28 =	sshrl.u32 s10, $0x3;
	s23 =	sand.u32 $0xFFFFFC00, s21;
	s22 =	sand.u32 $0xFFFFFC00, s22  }
0x4b: {  	[tilespmem:s18+$0x1040 ss:$0x41] =	vst.msk $0xffff, v4;
	v58 =	vld [tilespmem:s17+$0xFFFFFFE0];
	s21 =	sand.u32 $0x380, s21;
	s19 =	sadd.s32 s20, s19;
	s22 =	sadd.s32 s22, s23  }
0x4c: {  	v59 =	vld [tilespmem:s17+$0xFFFFFFF0];
	[tilespmem:s18+$0x1450 ss:$0x41] =	vst.msk $0xffff, v3;
	s29 =	sor.u32 s21, s22;
	s21 =	smov.u32 s9;
	s22 =	sand.u32 s30, s9  }
0x4d: {  	v60 =	vld [tilespmem:s17+$0x0];
	[tilespmem:s18+$0x1860 ss:$0x41] =	vst.msk $0xffff, v2;
	s30 =	sand.u32 $0x7, s10;
	s20 =	sshrl.u32 s29, $0x7;
	s21 =	simm.s32 @!p1 $0xF41C0  }
0x4e: {  	v61 =	vld [tilespmem:s17+$0x10];
	[tilespmem:s18+$0x0 ss:$0x41] =	vst.msk $0xffff, v1;
	p1 =	sgt.s32 s10, $0x40;
	s24 =	ssub.s32 s21, s22;
	s21 =	smov.u32 s10  }
0x4f: {  	v62 =	vld [tilespmem:s17+$0x20];
	[tilespmem:s19+$0x1C70 ss:$0x41] =	vst.msk $0xffff, v0;
	s31 =	smulhi.u32 $0x218DEF5, s20;
	s22 =	sand.u32 s25, s10;
	s21 =	simm.s32 @!p1 $0x40  }
0x50: {  	v63 =	vld [tilespmem:s17+$0xFFFFFFC0];
	[tilespmem:s19+$0x410 ss:$0x41] =	vst.msk $0xffff, v5;
	s26 =	sadd.s32 $0xFFF0BE40, s24;
	s17 =	ssub.s32 $0xF4240, s24;
	s21 =	ssub.s32 s21, s22  }
0x51: {  	[tilespmem:s19+$0x820 ss:$0x41] =	vst.msk $0xffff, v58;
	s23 =	sshrl.u32 s31, $0xD;
	p1 =	sgt.s32 s26, $0x7F;
	s27 =	sadd.s32 $0xFFFFFFC0, s21  }
0x52: {  	[tilespmem:s19+$0xC30 ss:$0x41] =	vst.msk $0xffff, v59;
	s23 =	smul.u32 $0xF4240, s23;
	s18 =	ssub.s32 $0x80, s21;
	p2 =	sgt.s32 s27, $0x3F  }
.Ltmp4:
0x53: {  	[tilespmem:s19+$0x1040 ss:$0x41] =	vst.msk $0xffff, v60;
	s17 =	simm.s32 @p1 $0x0;
	s18 =	simm.s32 @p2 $0x0;
	(pc) =	sbr.rel .LBB1_5-.Ltmp4, $4  }
0x54: {  	s29 =	sand.u32 $0xF, s28;
	[tilespmem:s19+$0x1450 ss:$0x41] =	vst.msk $0xffff, v61;
	s20 =	ssub.s32 s20, s23;
	s17 =	smul.u32 s18, s17  }
0x55: {  	[tilespmem:s19+$0x1860 ss:$0x41] =	vst.msk $0xffff, v62;
	s21 =	sshll.u32 s30, $0x12;
	s20 =	sshll.u32 s20, $0x4;
	s18 =	sadd.s32 s5, s29  }
0x56: {  	[tilespmem:s19+$0x0 ss:$0x41] =	vst.msk $0xffff, v63;
	s31 =	sor.u32 $0x40, s21;
	s18 =	sadd.s32 s20, s18;
	s17 =	sand.u32 $0x3FFFFFFF, s17  }
0x57: {  	[hbm4b:s18+s31] =	stream.strided.scatter [tilespmem:s16], [sflag:$0x2], s17, s8, s31, $0x18;
	[tilespmem:$0x8100] =	vst v63  }
.LBB1_6:
0x58: {  	_ =	sfence.sel $0x180000  }
0x59: {  	s2 =	simm.s32 $0x1;
	[bflag:$0x0] =	sbarrier.arrive $0xFFFF  }
0x5a: {  	s31 =	simm.s32 $0x2;
	[sflag:s2] =	ssyncpa.u1 $0x1  }
0x5b: {  	[sflag:s31] =	ssyncpa.u1 $0x1  }
0x5c: {  	p0 =	sne.s32 s1, $0x0;
	_ =	strace $0x90000047  }
0x5d: {  	s0 =	sadd.s32 @!p0 $0x100000, s0;
	[bflag:$0x2] =	sbarrier.arrive $0xFFFF  }
0x5e: {  	[sflag:s0] =	ssyncadd.tile.s32 @!p0 $0x1;
	_ =	shalt  }
.Lfunc_end1:
_tile_overlayer_lowered:
.L_overlay_start_2:
0x5f: {  	(tag) =	ssettag $0x2  }
0x60: {  	s0 =	rddreg [dreg:$0x0];
	s2 =	stileid.u32  }
0x61: {  	s1 =	rddreg [dreg:$0x1];
	p0 =	sne.s32 s2, $0x0  }
0x62: {  	s3 =	rddreg [dreg:$0x2];
	[bflag:$0x3] =	sbarrier.arrive $0xFFFF;
	s2 =	simm.s32 @!p0 $0x1C01  }
0x63: {  	[timem:s3], [sflag:s2] =	dma.local @!p0 [hbm:s0], s1  }
0x64: {  	s0 =	simm.s32 @!p0 $0x1  }
0x65: {  	_ =	swait.ge @!p0 [sflag:s0], s1  }
0x66: {  	s1 =	ssub.s32 @!p0 $0x0, s1;
	[sflag:s0] =	ssyncset.done @!p0 $0x0  }
0x67: {  	[sflag:s0] =	ssyncadd.s32 @!p0 s1  }
0x68: {  	[bflag:$0x3] =	sbarrier.arrive $0xFFFF  }
0x69: {  	_ =	shalt  }

</sc_bundles>
